<compile_context>
chip_gen: v7x
topology: tpu7x:2x2x1
jax: 0.10.2.dev20260603
libtpu: 0.0.44.dev20260713+nightly
codegen_flags: <defaults>
</compile_context>

<pallas_src>
import dataclasses
import functools

import jax
import jax.numpy as jnp
from jax import lax
from jax.experimental import pallas as pl
from jax.experimental.pallas import tpu as pltpu
from jax.experimental.pallas import tpu_sc as plsc

_EPS = 1e-5
_NC = 2
_NS = 16
_NW = _NC * _NS
_L = 16
_K = 80


def _fold_bn(W, b, gamma, beta):
    s = gamma * (1.0 / jnp.sqrt(1.0 + _EPS))
    return W * s[None, :], b * s + beta


def _tc_pre(x, w1x, b1, w2x, b2):
    n, d = x.shape
    h = w1x.shape[1]

    def body(x_ref, w1_ref, b1_ref, w2_ref, b2_ref, p_ref, q_ref):
        xv = x_ref[...]
        p_ref[...] = jnp.dot(xv, w1_ref[...],
                             preferred_element_type=jnp.float32) + b1_ref[...]
        q_ref[...] = jnp.dot(xv, w2_ref[...],
                             preferred_element_type=jnp.float32) + b2_ref[...]

    return pl.pallas_call(
        body,
        out_shape=(jax.ShapeDtypeStruct((n, h), jnp.float32),
                   jax.ShapeDtypeStruct((n, h), jnp.float32)),
    )(x, w1x, b1.reshape(1, -1), w2x, b2.reshape(1, -1))


def _sc_compiler_params():
    cp = pltpu.CompilerParams()
    if "needs_layout_passes" in pltpu.CompilerParams.__dataclass_fields__:
        cp = dataclasses.replace(cp, needs_layout_passes=False)
    return cp


def _sc_gather(p_tbl, row3d, col3d, n_hist):
    h = p_tbl.shape[1]
    per_w = row3d.shape[1]
    e = _NW * per_w * _K
    last = per_w - 1
    with_hist = col3d is not None
    mesh = plsc.VectorSubcoreMesh(core_axis_name="c", subcore_axis_name="s")

    out_type = [jax.ShapeDtypeStruct((e, h), jnp.float32)]
    scratch = [
        pltpu.VMEM((per_w, _K), jnp.int32),
        pltpu.VMEM((_K, h), jnp.float32),
        pltpu.VMEM((_K, h), jnp.float32),
        pltpu.SemaphoreType.DMA,
        pltpu.SemaphoreType.DMA,
    ]
    if with_hist:
        out_type.append(jax.ShapeDtypeStruct((_NW, n_hist), jnp.float32))
        scratch += [pltpu.VMEM((col3d.shape[1], _K), jnp.int32),
                    pltpu.VMEM((n_hist,), jnp.float32)]

    @functools.partial(
        pl.kernel,
        out_type=tuple(out_type),
        mesh=mesh,
        scratch_types=scratch,
        compiler_params=_sc_compiler_params(),
    )
    def k(p_hbm, ridx_hbm, *args):
        if with_hist:
            cidx_hbm, g_hbm, c_hbm, ridx_v, rows0, rows1, sem0, sem1, \
                cidx_v, cnt_ref = args
        else:
            g_hbm, ridx_v, rows0, rows1, sem0, sem1 = args
        wid = lax.axis_index("s") * _NC + lax.axis_index("c")
        base = wid * per_w
        pltpu.sync_copy(ridx_hbm.at[wid], ridx_v)

        if with_hist:
            pltpu.sync_copy(cidx_hbm.at[wid], cidx_v)
            zero16 = jnp.zeros((_L,), jnp.float32)
            one16 = jnp.full((_L,), 1.0, jnp.float32)

            @pl.loop(0, n_hist // _L)
            def _(i):
                cnt_ref[pl.ds(i * _L, _L)] = zero16

            @pl.loop(0, col3d.shape[1])
            def _(j):
                @pl.loop(0, _K // _L)
                def _(t):
                    idx16 = cidx_v[j, pl.ds(t * _L, _L)]
                    plsc.addupdate_scatter(cnt_ref, [idx16], one16)

        def g(j, buf, sem):
            pltpu.async_copy(p_hbm.at[ridx_v.at[j]], buf, sem)

        def wt(buf, sem):
            pltpu.make_async_copy(p_hbm.at[ridx_v.at[0]], buf, sem).wait()

        def wr(j, buf):
            pltpu.sync_copy(buf, g_hbm.at[pl.ds((base + j) * _K, _K)])

        g(0, rows0, sem0)

        @pl.loop(0, per_w // 2)
        def _(p):
            j = 2 * p
            g(j + 1, rows1, sem1)
            wt(rows0, sem0)
            wr(j, rows0)
            g(jnp.minimum(j + 2, last), rows0, sem0)
            wt(rows1, sem1)
            wr(j + 1, rows1)

        wt(rows0, sem0)
        if per_w % 2 == 1:
            wr(last, rows0)
        if with_hist:
            pltpu.sync_copy(cnt_ref, c_hbm.at[wid])

    if with_hist:
        return k(p_tbl, row3d, col3d)
    res = k(p_tbl, row3d)
    return res if isinstance(res, (tuple, list)) else (res,)


def _tc_edge_mlp(msg, g, w1m, w1b, b1b, tile, goff):
    h = msg.shape[1]
    sz = g.shape[0]

    def body(m_ref, g_ref, wm_ref, wb_ref, bb_ref, o_ref):
        hid = jnp.maximum(
            jnp.dot(m_ref[...], wm_ref[...],
                    preferred_element_type=jnp.float32) + g_ref[...], 0.0)
        o_ref[...] = jnp.maximum(
            jnp.dot(hid, wb_ref[...],
                    preferred_element_type=jnp.float32) + bb_ref[...], 0.0)

    return pl.pallas_call(
        body,
        grid=(sz // tile,),
        in_specs=[
            pl.BlockSpec((tile, h), lambda i: (i + goff, 0)),
            pl.BlockSpec((tile, h), lambda i: (i, 0)),
            pl.BlockSpec((h, h), lambda i: (0, 0)),
            pl.BlockSpec((h, h), lambda i: (0, 0)),
            pl.BlockSpec((1, h), lambda i: (0, 0)),
        ],
        out_specs=pl.BlockSpec((tile, h), lambda i: (i, 0)),
        out_shape=jax.ShapeDtypeStruct((sz, h), jnp.float32),
    )(msg, g, w1m, w1b, b1b.reshape(1, -1))


def _sc_scatter(h2, col3d, n):
    e, h = h2.shape
    per_w = col3d.shape[1]
    mesh = plsc.VectorSubcoreMesh(core_axis_name="c", subcore_axis_name="s")
    zeros_v = jnp.zeros((n, h), jnp.float32)

    @functools.partial(
        pl.kernel,
        out_type=jax.ShapeDtypeStruct((_NC, n, h), jnp.float32),
        mesh=mesh,
        scratch_types=[
            pltpu.VMEM((per_w, _K), jnp.int32),
            pltpu.VMEM((_K, h), jnp.float32),
            pltpu.VMEM((_K, h), jnp.float32),
            pltpu.VMEM_SHARED((n, h), jnp.float32),
            pltpu.SemaphoreType.DMA,
            pltpu.SemaphoreType.DMA,
        ],
    )
    def k(h2_hbm, col_hbm, zv_hbm, s_hbm, idx_v, b0, b1, acc_sh, sl0, sl1):
        cid = lax.axis_index("c")
        sid = lax.axis_index("s")
        wid = sid * _NC + cid
        base = wid * per_w
        pltpu.sync_copy(col_hbm.at[wid], idx_v)

        @pl.when(sid == 0)
        def _():
            pltpu.sync_copy(zv_hbm, acc_sh)

        plsc.subcore_barrier()

        def load(i, buf, sem):
            pltpu.async_copy(h2_hbm.at[pl.ds((base + i) * _K, _K)], buf, sem)

        def wt(buf, sem):
            pltpu.make_async_copy(h2_hbm.at[pl.ds(0, _K)], buf, sem).wait()

        def scat(i, buf):
            pltpu.sync_copy(buf, acc_sh.at[idx_v.at[i]], add=True)

        last = per_w - 1
        load(0, b0, sl0)

        @pl.loop(0, per_w // 2)
        def _(p):
            i = 2 * p
            load(i + 1, b1, sl1)
            wt(b0, sl0)
            scat(i, b0)
            load(jnp.minimum(i + 2, last), b0, sl0)
            wt(b1, sl1)
            scat(i + 1, b1)

        wt(b0, sl0)
        if per_w % 2 == 1:
            scat(last, b0)

        plsc.subcore_barrier()

        @pl.when(sid == 0)
        def _():
            pltpu.sync_copy(acc_sh, s_hbm.at[cid])

    return k(h2, col3d, zeros_v)


def _tc_node(q, s_part0, s_part1, cnt_t, wagg, w2b, b2b, wa, ba):
    n, h = q.shape

    def body(q_ref, s_ref, s1_ref, c_ref, wg_ref, wb_ref, bb_ref, wa_ref,
             ba_ref, out_ref, att_ref):
        ssum = (s_ref[0] + s_ref[1]) + (s1_ref[0] + s1_ref[1])
        cnt = jnp.sum(c_ref[...], axis=1, keepdims=True)
        agg = jnp.where(cnt > 0.0, ssum / jnp.maximum(cnt, 1.0), 0.0)
        hid = jnp.maximum(
            q_ref[...] + jnp.dot(agg, wg_ref[...],
                                 preferred_element_type=jnp.float32), 0.0)
        h2 = jnp.maximum(
            jnp.dot(hid, wb_ref[...],
                    preferred_element_type=jnp.float32) + bb_ref[...], 0.0)
        out_ref[...] = h2
        logit = jnp.sum(h2 * wa_ref[...], axis=1, keepdims=True)
        att_ref[...] = jax.nn.sigmoid(logit + ba_ref[...][0:1, 0:1])

    return pl.pallas_call(
        body,
        out_shape=(jax.ShapeDtypeStruct((n, h), jnp.float32),
                   jax.ShapeDtypeStruct((n, 1), jnp.float32)),
    )(q, s_part0, s_part1, cnt_t, wagg, w2b, b2b.reshape(1, -1),
      wa.reshape(1, -1), ba.reshape(1, 1))


def kernel(x, edge_index, message, params):
    n, in_dim = x.shape
    e = edge_index.shape[1]
    h = message.shape[1]
    assert e % (_NW * _K) == 0 and n % 8 == 0

    w1a, b1a = _fold_bn(params['W1a'], params['b1a'],
                        params['g1a'], params['be1a'])
    w1b, b1b = _fold_bn(params['W1b'], params['b1b'],
                        params['g1b'], params['be1b'])
    w2a, b2a = _fold_bn(params['W2a'], params['b2a'],
                        params['g2a'], params['be2a'])
    w2b, b2b = _fold_bn(params['W2b'], params['b2b'],
                        params['g2b'], params['be2b'])
    w1m, w1x = w1a[:h], w1a[h:]
    w2x, wagg = w2a[:in_dim], w2a[in_dim:]

    tile = _NW * _K
    grp_total = e // tile
    grp0 = (grp_total + 1) // 2
    sz0 = grp0 * tile
    row, col = edge_index[0], edge_index[1]
    col3d_full = col.reshape(_NW, -1, _K)

    p_tbl, q_tbl = _tc_pre(x, w1x, b1a, w2x, b2a)

    s_parts = []
    cnt = None
    for c, (off, sz) in enumerate(((0, sz0), (sz0, e - sz0))):
        row3d = lax.dynamic_slice_in_dim(row, off, sz).reshape(_NW, -1, _K)
        col3d = lax.dynamic_slice_in_dim(col, off, sz).reshape(_NW, -1, _K)
        if c == 0:
            g, cnt = _sc_gather(p_tbl, row3d, col3d_full, n)
        else:
            (g,) = _sc_gather(p_tbl, row3d, None, n)
        h2 = _tc_edge_mlp(message, g, w1m, w1b, b1b, tile, off // tile)
        s_parts.append(_sc_scatter(h2, col3d, n))

    out, att = _tc_node(q_tbl, s_parts[0], s_parts[1], cnt.T, wagg, w2b,
                        b2b, params['Wa'], params['ba'])
    return (out, att.reshape(-1))

# --- scband reference (transcript-rebuilt; emitter-appended) ---
"""Pipeline reference for scband-umpnode-block-38809324487019 (READ-ONLY COPY).

The authoritative reference and input builder live on the scoring server;
editing this copy changes nothing except your own understanding.
"""

import jax, jax.numpy as jnp
import numpy as np

N = 10000
E = 320000
IN_DIM = 128
HID = 128
EPS = 1e-5


def _linear(x, W, b):
    return x @ W + b


def _bn_eval(x, gamma, beta):
    # eval-mode BatchNorm1d with running_mean=0, running_var=1
    return x / jnp.sqrt(1.0 + EPS) * gamma + beta


def setup_inputs(seed: int = 0) -> dict:
    key = jax.random.key(seed)
    ks = jax.random.split(key, 24)
    x = jax.random.normal(ks[0], (N, IN_DIM), dtype=jnp.float32)
    edge_index = jax.random.randint(ks[1], (2, E), 0, N, dtype=jnp.int32)
    message = jax.random.normal(ks[2], (E, HID), dtype=jnp.float32)
    def lin(k, fan_in, fan_out):
        kw, kb = jax.random.split(k)
        lim = 1.0 / np.sqrt(fan_in)
        W = jax.random.uniform(kw, (fan_in, fan_out), jnp.float32, -lim, lim)
        b = jax.random.uniform(kb, (fan_out,), jnp.float32, -lim, lim)
        return W, b
    W1a, b1a = lin(ks[3], IN_DIM + HID, HID)
    W1b, b1b = lin(ks[4], HID, HID)
    W2a, b2a = lin(ks[5], IN_DIM + HID, HID)
    W2b, b2b = lin(ks[6], HID, HID)
    Wa, ba = lin(ks[7], HID, 1)
    params = {
        'W1a': W1a, 'b1a': b1a, 'g1a': jnp.ones((HID,), jnp.float32), 'be1a': jnp.zeros((HID,), jnp.float32),
        'W1b': W1b, 'b1b': b1b, 'g1b': jnp.ones((HID,), jnp.float32), 'be1b': jnp.zeros((HID,), jnp.float32),
        'W2a': W2a, 'b2a': b2a, 'g2a': jnp.ones((HID,), jnp.float32), 'be2a': jnp.zeros((HID,), jnp.float32),
        'W2b': W2b, 'b2b': b2b, 'g2b': jnp.ones((HID,), jnp.float32), 'be2b': jnp.zeros((HID,), jnp.float32),
        'Wa': Wa, 'ba': ba,
    }
    return {'x': x, 'edge_index': edge_index, 'message': message, 'params': params}


def reference(x, edge_index, message, params):
    row = edge_index[0]
    col = edge_index[1]
    out = x[row]                                   # gather: [E, IN_DIM]
    out = jnp.concatenate([message, out], axis=1)  # [E, HID+IN_DIM]
    # node_mlp_1 (dropout is identity in eval)
    out = jax.nn.relu(_bn_eval(_linear(out, params['W1a'], params['b1a']), params['g1a'], params['be1a']))
    out = jax.nn.relu(_bn_eval(_linear(out, params['W1b'], params['b1b']), params['g1b'], params['be1b']))
    # scatter mean over destination nodes
    s = jax.ops.segment_sum(out, col, num_segments=N)
    c = jax.ops.segment_sum(jnp.ones((out.shape[0], 1), out.dtype), col, num_segments=N)
    agg = jnp.where(c > 0, s / jnp.maximum(c, 1.0), 0.0)
    out = jnp.concatenate([x, agg], axis=1)        # [N, IN_DIM+HID]
    # node_mlp_2
    out = jax.nn.relu(_bn_eval(_linear(out, params['W2a'], params['b2a']), params['g2a'], params['be2a']))
    out = jax.nn.relu(_bn_eval(_linear(out, params['W2b'], params['b2b']), params['g2b'], params['be2b']))
    att = jax.nn.sigmoid(_linear(out, params['Wa'], params['ba'])).reshape(-1)
    return (out, att)

if __name__ == "__main__":
    import jax
    _d = setup_inputs()
    print(jax.jit(kernel)(*tuple(_d.values())))

</pallas_src>

<mosaic_0001>
#map = affine_map<(d0, d1) -> (0, 0)>
#map1 = affine_map<(d0, d1) -> (0, 0, 0)>
module attributes {stable_mosaic.version = 14 : i64} {
  func.func @k(%arg0: i32, %arg1: i32, %arg2: memref<158720x128xf32, #tpu.memory_space<hbm>>, %arg3: memref<32x62x80xi32, #tpu.memory_space<hbm>>, %arg4: memref<10000x128xf32, #tpu.memory_space<hbm>>, %arg5: memref<2x10000x128xf32, #tpu.memory_space<hbm>>, %arg6: memref<62x80xi32, #tpu.memory_space<vmem>>, %arg7: memref<80x128xf32, #tpu.memory_space<vmem>>, %arg8: memref<80x128xf32, #tpu.memory_space<vmem>>, %arg9: memref<10000x128xf32, #tpu.memory_space<vmem_shared>>, %arg10: memref<!tpu.dma_semaphore, #tpu.memory_space<semaphore_mem>>, %arg11: memref<!tpu.dma_semaphore, #tpu.memory_space<semaphore_mem>>) attributes {dimension_semantics = [#tpu.dimension_semantics<core_parallel>, #tpu.dimension_semantics<subcore_parallel>], iteration_bounds = array<i64: 2, 16>, scalar_prefetch = 0 : i64, scratch_operands = 6 : i64, tpu.core_type = #tpu.core_type<sc_vector_subcore>, window_params = [{transform_indices = #map}, {transform_indices = #map1}, {transform_indices = #map}, {transform_indices = #map1}]} {
    %mul3A = arith.constant 2 : i32
    %mul3A_0 = arith.muli %arg1, %mul3A : i32
    %add3A = arith.addi %mul3A_0, %arg0 : i32
    %mul3A_1 = arith.constant 62 : i32
    %mul3A_2 = arith.muli %add3A, %mul3A_1 : i32
    "tpu.region"() ({
      %run_scoped3A = tpu.sem_alloc : memref<!tpu.dma_semaphore, #tpu.memory_space<semaphore_mem>>
      %dma_start3A_27 = arith.constant 0 : i32
      %dma_start3A_28 = arith.constant 0 : i32
      %dma_start3A_29 = tpu.memref_slice %arg3[%add3A, %dma_start3A_27, %dma_start3A_28] : memref<32x62x80xi32, #tpu.memory_space<hbm>> -> memref<1x62x80xi32, #tpu.memory_space<hbm>>
      %dma_start3A_30 = tpu.memref_squeeze %dma_start3A_29 : memref<1x62x80xi32, #tpu.memory_space<hbm>> -> memref<62x80xi32, #tpu.memory_space<hbm>>
      %dma_start3A_31 = arith.constant 0 : i32
      %dma_start3A_32 = arith.constant 0 : i32
      %dma_start3A_33 = tpu.memref_slice %arg3[%add3A, %dma_start3A_31, %dma_start3A_32] : memref<32x62x80xi32, #tpu.memory_space<hbm>> -> memref<1x62x80xi32, #tpu.memory_space<hbm>>
      %dma_start3A_34 = tpu.memref_squeeze %dma_start3A_33 : memref<1x62x80xi32, #tpu.memory_space<hbm>> -> memref<62x80xi32, #tpu.memory_space<hbm>>
      tpu.enqueue_dma source(%dma_start3A_34 : memref<62x80xi32, #tpu.memory_space<hbm>>) target(%arg6 : memref<62x80xi32, #tpu.memory_space<vmem>>) target_semaphore(%run_scoped3A : memref<!tpu.dma_semaphore, #tpu.memory_space<semaphore_mem>>)
      %dma_wait3A_35 = arith.constant 0 : i32
      %dma_wait3A_36 = arith.constant 0 : i32
      %dma_wait3A_37 = tpu.memref_slice %arg3[%add3A, %dma_wait3A_35, %dma_wait3A_36] : memref<32x62x80xi32, #tpu.memory_space<hbm>> -> memref<1x62x80xi32, #tpu.memory_space<hbm>>
      %dma_wait3A_38 = tpu.memref_squeeze %dma_wait3A_37 : memref<1x62x80xi32, #tpu.memory_space<hbm>> -> memref<62x80xi32, #tpu.memory_space<hbm>>
      %dma_wait3A_39 = arith.constant 0 : i32
      %dma_wait3A_40 = arith.constant 0 : i32
      %dma_wait3A_41 = tpu.memref_slice %arg3[%add3A, %dma_wait3A_39, %dma_wait3A_40] : memref<32x62x80xi32, #tpu.memory_space<hbm>> -> memref<1x62x80xi32, #tpu.memory_space<hbm>>
      %dma_wait3A_42 = tpu.memref_squeeze %dma_wait3A_41 : memref<1x62x80xi32, #tpu.memory_space<hbm>> -> memref<62x80xi32, #tpu.memory_space<hbm>>
      tpu.wait_dma2 semaphore(%run_scoped3A : memref<!tpu.dma_semaphore, #tpu.memory_space<semaphore_mem>>) src(%dma_wait3A_42 : memref<62x80xi32, #tpu.memory_space<hbm>>) dst(%arg6 : memref<62x80xi32, #tpu.memory_space<vmem>>)
      tpu.yield
    }) : () -> ()
    %eq3A = arith.constant 0 : i32
    %eq3A_3 = arith.cmpi eq, %arg1, %eq3A : i32
    %convert_element_type3A = arith.extui %eq3A_3 : i1 to i32
    %cond3A = arith.constant 0 : i32
    %cond3A_4 = arith.cmpi ne, %convert_element_type3A, %cond3A : i32
    scf.if %cond3A_4 {
      "tpu.region"() ({
        %run_scoped3A = tpu.sem_alloc : memref<!tpu.dma_semaphore, #tpu.memory_space<semaphore_mem>>
        tpu.enqueue_dma source(%arg4 : memref<10000x128xf32, #tpu.memory_space<hbm>>) target(%arg9 : memref<10000x128xf32, #tpu.memory_space<vmem_shared>>) target_semaphore(%run_scoped3A : memref<!tpu.dma_semaphore, #tpu.memory_space<semaphore_mem>>)
        tpu.wait_dma2 semaphore(%run_scoped3A : memref<!tpu.dma_semaphore, #tpu.memory_space<semaphore_mem>>) src(%arg4 : memref<10000x128xf32, #tpu.memory_space<hbm>>) dst(%arg9 : memref<10000x128xf32, #tpu.memory_space<vmem_shared>>)
        tpu.yield
      }) : () -> ()
    } else {
    }
    %barrier3A = arith.constant 0 : index
    tpu.barrier barrier_id(%barrier3A)
    %add3A_5 = arith.constant 0 : i32
    %add3A_6 = arith.addi %mul3A_2, %add3A_5 : i32
    %mul3A_7 = arith.constant 80 : i32
    %mul3A_8 = arith.muli %add3A_6, %mul3A_7 : i32
    %dma_start3A = arith.constant 0 : i32
    %dma_start3A_9 = tpu.memref_slice %arg2[%mul3A_8, %dma_start3A] : memref<158720x128xf32, #tpu.memory_space<hbm>> -> memref<80x128xf32, #tpu.memory_space<hbm>>
    %dma_start3A_10 = arith.constant 0 : i32
    %dma_start3A_11 = tpu.memref_slice %arg2[%mul3A_8, %dma_start3A_10] : memref<158720x128xf32, #tpu.memory_space<hbm>> -> memref<80x128xf32, #tpu.memory_space<hbm>>
    tpu.enqueue_dma source(%dma_start3A_11 : memref<80x128xf32, #tpu.memory_space<hbm>>) target(%arg7 : memref<80x128xf32, #tpu.memory_space<vmem>>) target_semaphore(%arg10 : memref<!tpu.dma_semaphore, #tpu.memory_space<semaphore_mem>>)
    %scan3A = arith.constant 0 : i32
    %scan3A_12 = arith.constant 31 : i32
    %scan3A_13 = arith.addi %scan3A, %scan3A_12 : i32
    %scan3A_14 = arith.constant 1 : i32
    scf.for %scan3A_27 = %scan3A to %scan3A_13 step %scan3A_14  : i32 {
      %mul3A_28 = arith.constant 1 : i32
      %mul3A_29 = arith.muli %scan3A_27, %mul3A_28 : i32
      %add3A_30 = arith.constant 0 : i32
      %add3A_31 = arith.addi %add3A_30, %mul3A_29 : i32
      %mul3A_32 = arith.constant 2 : i32
      %mul3A_33 = arith.muli %mul3A_32, %add3A_31 : i32
      %add3A_34 = arith.constant 1 : i32
      %add3A_35 = arith.addi %mul3A_33, %add3A_34 : i32
      %add3A_36 = arith.addi %mul3A_2, %add3A_35 : i32
      %mul3A_37 = arith.constant 80 : i32
      %mul3A_38 = arith.muli %add3A_36, %mul3A_37 : i32
      %dma_start3A_39 = arith.constant 0 : i32
      %dma_start3A_40 = tpu.memref_slice %arg2[%mul3A_38, %dma_start3A_39] : memref<158720x128xf32, #tpu.memory_space<hbm>> -> memref<80x128xf32, #tpu.memory_space<hbm>>
      %dma_start3A_41 = arith.constant 0 : i32
      %dma_start3A_42 = tpu.memref_slice %arg2[%mul3A_38, %dma_start3A_41] : memref<158720x128xf32, #tpu.memory_space<hbm>> -> memref<80x128xf32, #tpu.memory_space<hbm>>
      tpu.enqueue_dma source(%dma_start3A_42 : memref<80x128xf32, #tpu.memory_space<hbm>>) target(%arg8 : memref<80x128xf32, #tpu.memory_space<vmem>>) target_semaphore(%arg11 : memref<!tpu.dma_semaphore, #tpu.memory_space<semaphore_mem>>)
      %dma_wait3A_43 = arith.constant 0 : i32
      %dma_wait3A_44 = arith.constant 0 : i32
      %dma_wait3A_45 = tpu.memref_slice %arg2[%dma_wait3A_43, %dma_wait3A_44] : memref<158720x128xf32, #tpu.memory_space<hbm>> -> memref<80x128xf32, #tpu.memory_space<hbm>>
      %dma_wait3A_46 = arith.constant 0 : i32
      %dma_wait3A_47 = arith.constant 0 : i32
      %dma_wait3A_48 = tpu.memref_slice %arg2[%dma_wait3A_46, %dma_wait3A_47] : memref<158720x128xf32, #tpu.memory_space<hbm>> -> memref<80x128xf32, #tpu.memory_space<hbm>>
      tpu.wait_dma2 semaphore(%arg10 : memref<!tpu.dma_semaphore, #tpu.memory_space<semaphore_mem>>) src(%dma_wait3A_48 : memref<80x128xf32, #tpu.memory_space<hbm>>) dst(%arg7 : memref<80x128xf32, #tpu.memory_space<vmem>>)
      "tpu.region"() ({
        %run_scoped3A = tpu.sem_alloc : memref<!tpu.dma_semaphore, #tpu.memory_space<semaphore_mem>>
        %dma_start3A_67 = arith.constant 0 : i32
        %dma_start3A_68 = tpu.memref_slice %arg6[%mul3A_33, %dma_start3A_67] : memref<62x80xi32, #tpu.memory_space<vmem>> -> memref<1x80xi32, #tpu.memory_space<vmem>>
        %dma_start3A_69 = tpu.memref_squeeze %dma_start3A_68 : memref<1x80xi32, #tpu.memory_space<vmem>> -> memref<80xi32, #tpu.memory_space<vmem>>
        %dma_start3A_70 = arith.constant 0 : i32
        %dma_start3A_71 = arith.constant 0 : i32
        %dma_start3A_72 = tpu.memref_slice %arg9[%dma_start3A_70, %dma_start3A_71] : memref<10000x128xf32, #tpu.memory_space<vmem_shared>> -> memref<10000x128xf32, #tpu.memory_space<vmem_shared>>
        tpu.enqueue_indirect_dma source(%arg7 : memref<80x128xf32, #tpu.memory_space<vmem>>) target(%dma_start3A_72 : memref<10000x128xf32, #tpu.memory_space<vmem_shared>>) offsets(%dma_start3A_69 : memref<80xi32, #tpu.memory_space<vmem>>) semaphore(%run_scoped3A : memref<!tpu.dma_semaphore, #tpu.memory_space<semaphore_mem>>) {add = true}
        %dma_wait3A_73 = arith.constant 0 : i32
        %dma_wait3A_74 = tpu.memref_slice %arg6[%mul3A_33, %dma_wait3A_73] : memref<62x80xi32, #tpu.memory_space<vmem>> -> memref<1x80xi32, #tpu.memory_space<vmem>>
        %dma_wait3A_75 = tpu.memref_squeeze %dma_wait3A_74 : memref<1x80xi32, #tpu.memory_space<vmem>> -> memref<80xi32, #tpu.memory_space<vmem>>
        %dma_wait3A_76 = arith.constant 0 : i32
        %dma_wait3A_77 = arith.constant 0 : i32
        %dma_wait3A_78 = tpu.memref_slice %arg9[%dma_wait3A_76, %dma_wait3A_77] : memref<10000x128xf32, #tpu.memory_space<vmem_shared>> -> memref<10000x128xf32, #tpu.memory_space<vmem_shared>>
        tpu.wait_indirect_dma semaphore(%run_scoped3A : memref<!tpu.dma_semaphore, #tpu.memory_space<semaphore_mem>>) src(%arg7 : memref<80x128xf32, #tpu.memory_space<vmem>>) dst(%dma_wait3A_78 : memref<10000x128xf32, #tpu.memory_space<vmem_shared>>)
        tpu.yield
      }) : () -> ()
      %add3A_49 = arith.constant 2 : i32
      %add3A_50 = arith.addi %mul3A_33, %add3A_49 : i32
      %min3A = arith.constant 61 : i32
      %min3A_51 = arith.minsi %add3A_50, %min3A : i32
      %add3A_52 = arith.addi %mul3A_2, %min3A_51 : i32
      %mul3A_53 = arith.constant 80 : i32
      %mul3A_54 = arith.muli %add3A_52, %mul3A_53 : i32
      %dma_start3A_55 = arith.constant 0 : i32
      %dma_start3A_56 = tpu.memref_slice %arg2[%mul3A_54, %dma_start3A_55] : memref<158720x128xf32, #tpu.memory_space<hbm>> -> memref<80x128xf32, #tpu.memory_space<hbm>>
      %dma_start3A_57 = arith.constant 0 : i32
      %dma_start3A_58 = tpu.memref_slice %arg2[%mul3A_54, %dma_start3A_57] : memref<158720x128xf32, #tpu.memory_space<hbm>> -> memref<80x128xf32, #tpu.memory_space<hbm>>
      tpu.enqueue_dma source(%dma_start3A_58 : memref<80x128xf32, #tpu.memory_space<hbm>>) target(%arg7 : memref<80x128xf32, #tpu.memory_space<vmem>>) target_semaphore(%arg10 : memref<!tpu.dma_semaphore, #tpu.memory_space<semaphore_mem>>)
      %dma_wait3A_59 = arith.constant 0 : i32
      %dma_wait3A_60 = arith.constant 0 : i32
      %dma_wait3A_61 = tpu.memref_slice %arg2[%dma_wait3A_59, %dma_wait3A_60] : memref<158720x128xf32, #tpu.memory_space<hbm>> -> memref<80x128xf32, #tpu.memory_space<hbm>>
      %dma_wait3A_62 = arith.constant 0 : i32
      %dma_wait3A_63 = arith.constant 0 : i32
      %dma_wait3A_64 = tpu.memref_slice %arg2[%dma_wait3A_62, %dma_wait3A_63] : memref<158720x128xf32, #tpu.memory_space<hbm>> -> memref<80x128xf32, #tpu.memory_space<hbm>>
      tpu.wait_dma2 semaphore(%arg11 : memref<!tpu.dma_semaphore, #tpu.memory_space<semaphore_mem>>) src(%dma_wait3A_64 : memref<80x128xf32, #tpu.memory_space<hbm>>) dst(%arg8 : memref<80x128xf32, #tpu.memory_space<vmem>>)
      %add3A_65 = arith.constant 1 : i32
      %add3A_66 = arith.addi %mul3A_33, %add3A_65 : i32
      "tpu.region"() ({
        %run_scoped3A = tpu.sem_alloc : memref<!tpu.dma_semaphore, #tpu.memory_space<semaphore_mem>>
        %dma_start3A_67 = arith.constant 0 : i32
        %dma_start3A_68 = tpu.memref_slice %arg6[%add3A_66, %dma_start3A_67] : memref<62x80xi32, #tpu.memory_space<vmem>> -> memref<1x80xi32, #tpu.memory_space<vmem>>
        %dma_start3A_69 = tpu.memref_squeeze %dma_start3A_68 : memref<1x80xi32, #tpu.memory_space<vmem>> -> memref<80xi32, #tpu.memory_space<vmem>>
        %dma_start3A_70 = arith.constant 0 : i32
        %dma_start3A_71 = arith.constant 0 : i32
        %dma_start3A_72 = tpu.memref_slice %arg9[%dma_start3A_70, %dma_start3A_71] : memref<10000x128xf32, #tpu.memory_space<vmem_shared>> -> memref<10000x128xf32, #tpu.memory_space<vmem_shared>>
        tpu.enqueue_indirect_dma source(%arg8 : memref<80x128xf32, #tpu.memory_space<vmem>>) target(%dma_start3A_72 : memref<10000x128xf32, #tpu.memory_space<vmem_shared>>) offsets(%dma_start3A_69 : memref<80xi32, #tpu.memory_space<vmem>>) semaphore(%run_scoped3A : memref<!tpu.dma_semaphore, #tpu.memory_space<semaphore_mem>>) {add = true}
        %dma_wait3A_73 = arith.constant 0 : i32
        %dma_wait3A_74 = tpu.memref_slice %arg6[%add3A_66, %dma_wait3A_73] : memref<62x80xi32, #tpu.memory_space<vmem>> -> memref<1x80xi32, #tpu.memory_space<vmem>>
        %dma_wait3A_75 = tpu.memref_squeeze %dma_wait3A_74 : memref<1x80xi32, #tpu.memory_space<vmem>> -> memref<80xi32, #tpu.memory_space<vmem>>
        %dma_wait3A_76 = arith.constant 0 : i32
        %dma_wait3A_77 = arith.constant 0 : i32
        %dma_wait3A_78 = tpu.memref_slice %arg9[%dma_wait3A_76, %dma_wait3A_77] : memref<10000x128xf32, #tpu.memory_space<vmem_shared>> -> memref<10000x128xf32, #tpu.memory_space<vmem_shared>>
        tpu.wait_indirect_dma semaphore(%run_scoped3A : memref<!tpu.dma_semaphore, #tpu.memory_space<semaphore_mem>>) src(%arg8 : memref<80x128xf32, #tpu.memory_space<vmem>>) dst(%dma_wait3A_78 : memref<10000x128xf32, #tpu.memory_space<vmem_shared>>)
        tpu.yield
      }) : () -> ()
    }
    %scan3A_15 = arith.constant 31 : i32
    %dma_wait3A = arith.constant 0 : i32
    %dma_wait3A_16 = arith.constant 0 : i32
    %dma_wait3A_17 = tpu.memref_slice %arg2[%dma_wait3A, %dma_wait3A_16] : memref<158720x128xf32, #tpu.memory_space<hbm>> -> memref<80x128xf32, #tpu.memory_space<hbm>>
    %dma_wait3A_18 = arith.constant 0 : i32
    %dma_wait3A_19 = arith.constant 0 : i32
    %dma_wait3A_20 = tpu.memref_slice %arg2[%dma_wait3A_18, %dma_wait3A_19] : memref<158720x128xf32, #tpu.memory_space<hbm>> -> memref<80x128xf32, #tpu.memory_space<hbm>>
    tpu.wait_dma2 semaphore(%arg10 : memref<!tpu.dma_semaphore, #tpu.memory_space<semaphore_mem>>) src(%dma_wait3A_20 : memref<80x128xf32, #tpu.memory_space<hbm>>) dst(%arg7 : memref<80x128xf32, #tpu.memory_space<vmem>>)
    %barrier3A_21 = arith.constant 0 : index
    tpu.barrier barrier_id(%barrier3A_21)
    %eq3A_22 = arith.constant 0 : i32
    %eq3A_23 = arith.cmpi eq, %arg1, %eq3A_22 : i32
    %convert_element_type3A_24 = arith.extui %eq3A_23 : i1 to i32
    %cond3A_25 = arith.constant 0 : i32
    %cond3A_26 = arith.cmpi ne, %convert_element_type3A_24, %cond3A_25 : i32
    scf.if %cond3A_26 {
      "tpu.region"() ({
        %run_scoped3A = tpu.sem_alloc : memref<!tpu.dma_semaphore, #tpu.memory_space<semaphore_mem>>
        %dma_start3A_27 = arith.constant 0 : i32
        %dma_start3A_28 = arith.constant 0 : i32
        %dma_start3A_29 = tpu.memref_slice %arg5[%arg0, %dma_start3A_27, %dma_start3A_28] : memref<2x10000x128xf32, #tpu.memory_space<hbm>> -> memref<1x10000x128xf32, #tpu.memory_space<hbm>>
        %dma_start3A_30 = tpu.memref_squeeze %dma_start3A_29 : memref<1x10000x128xf32, #tpu.memory_space<hbm>> -> memref<10000x128xf32, #tpu.memory_space<hbm>>
        tpu.enqueue_dma source(%arg9 : memref<10000x128xf32, #tpu.memory_space<vmem_shared>>) target(%dma_start3A_30 : memref<10000x128xf32, #tpu.memory_space<hbm>>) target_semaphore(%run_scoped3A : memref<!tpu.dma_semaphore, #tpu.memory_space<semaphore_mem>>)
        %dma_wait3A_31 = arith.constant 0 : i32
        %dma_wait3A_32 = arith.constant 0 : i32
        %dma_wait3A_33 = tpu.memref_slice %arg5[%arg0, %dma_wait3A_31, %dma_wait3A_32] : memref<2x10000x128xf32, #tpu.memory_space<hbm>> -> memref<1x10000x128xf32, #tpu.memory_space<hbm>>
        %dma_wait3A_34 = tpu.memref_squeeze %dma_wait3A_33 : memref<1x10000x128xf32, #tpu.memory_space<hbm>> -> memref<10000x128xf32, #tpu.memory_space<hbm>>
        tpu.wait_dma2 semaphore(%run_scoped3A : memref<!tpu.dma_semaphore, #tpu.memory_space<semaphore_mem>>) src(%arg9 : memref<10000x128xf32, #tpu.memory_space<vmem_shared>>) dst(%dma_wait3A_34 : memref<10000x128xf32, #tpu.memory_space<hbm>>)
        tpu.yield
      }) : () -> ()
    } else {
    }
    return
  }
}

#map = affine_map<(d0, d1) -> (0, 0)>
#map1 = affine_map<(d0, d1) -> (0, 0, 0)>
module attributes {stable_mosaic.version = 14 : i64} {
  func.func @k(%arg0: i32, %arg1: i32, %arg2: memref<10000x128xf32, #tpu.memory_space<hbm>>, %arg3: memref<32x62x80xi32, #tpu.memory_space<hbm>>, %arg4: memref<158720x128xf32, #tpu.memory_space<hbm>>, %arg5: memref<62x80xi32, #tpu.memory_space<vmem>>, %arg6: memref<80x128xf32, #tpu.memory_space<vmem>>, %arg7: memref<80x128xf32, #tpu.memory_space<vmem>>, %arg8: memref<!tpu.dma_semaphore, #tpu.memory_space<semaphore_mem>>, %arg9: memref<!tpu.dma_semaphore, #tpu.memory_space<semaphore_mem>>) attributes {dimension_semantics = [#tpu.dimension_semantics<core_parallel>, #tpu.dimension_semantics<subcore_parallel>], iteration_bounds = array<i64: 2, 16>, scalar_prefetch = 0 : i64, scratch_operands = 5 : i64, tpu.core_type = #tpu.core_type<sc_vector_subcore>, window_params = [{transform_indices = #map}, {transform_indices = #map1}, {transform_indices = #map}]} {
    %mul3A = arith.constant 2 : i32
    %mul3A_0 = arith.muli %arg1, %mul3A : i32
    %add3A = arith.addi %mul3A_0, %arg0 : i32
    %mul3A_1 = arith.constant 62 : i32
    %mul3A_2 = arith.muli %add3A, %mul3A_1 : i32
    "tpu.region"() ({
      %run_scoped3A = tpu.sem_alloc : memref<!tpu.dma_semaphore, #tpu.memory_space<semaphore_mem>>
      %dma_start3A_19 = arith.constant 0 : i32
      %dma_start3A_20 = arith.constant 0 : i32
      %dma_start3A_21 = tpu.memref_slice %arg3[%add3A, %dma_start3A_19, %dma_start3A_20] : memref<32x62x80xi32, #tpu.memory_space<hbm>> -> memref<1x62x80xi32, #tpu.memory_space<hbm>>
      %dma_start3A_22 = tpu.memref_squeeze %dma_start3A_21 : memref<1x62x80xi32, #tpu.memory_space<hbm>> -> memref<62x80xi32, #tpu.memory_space<hbm>>
      %dma_start3A_23 = arith.constant 0 : i32
      %dma_start3A_24 = arith.constant 0 : i32
      %dma_start3A_25 = tpu.memref_slice %arg3[%add3A, %dma_start3A_23, %dma_start3A_24] : memref<32x62x80xi32, #tpu.memory_space<hbm>> -> memref<1x62x80xi32, #tpu.memory_space<hbm>>
      %dma_start3A_26 = tpu.memref_squeeze %dma_start3A_25 : memref<1x62x80xi32, #tpu.memory_space<hbm>> -> memref<62x80xi32, #tpu.memory_space<hbm>>
      tpu.enqueue_dma source(%dma_start3A_26 : memref<62x80xi32, #tpu.memory_space<hbm>>) target(%arg5 : memref<62x80xi32, #tpu.memory_space<vmem>>) target_semaphore(%run_scoped3A : memref<!tpu.dma_semaphore, #tpu.memory_space<semaphore_mem>>)
      %dma_wait3A_27 = arith.constant 0 : i32
      %dma_wait3A_28 = arith.constant 0 : i32
      %dma_wait3A_29 = tpu.memref_slice %arg3[%add3A, %dma_wait3A_27, %dma_wait3A_28] : memref<32x62x80xi32, #tpu.memory_space<hbm>> -> memref<1x62x80xi32, #tpu.memory_space<hbm>>
      %dma_wait3A_30 = tpu.memref_squeeze %dma_wait3A_29 : memref<1x62x80xi32, #tpu.memory_space<hbm>> -> memref<62x80xi32, #tpu.memory_space<hbm>>
      %dma_wait3A_31 = arith.constant 0 : i32
      %dma_wait3A_32 = arith.constant 0 : i32
      %dma_wait3A_33 = tpu.memref_slice %arg3[%add3A, %dma_wait3A_31, %dma_wait3A_32] : memref<32x62x80xi32, #tpu.memory_space<hbm>> -> memref<1x62x80xi32, #tpu.memory_space<hbm>>
      %dma_wait3A_34 = tpu.memref_squeeze %dma_wait3A_33 : memref<1x62x80xi32, #tpu.memory_space<hbm>> -> memref<62x80xi32, #tpu.memory_space<hbm>>
      tpu.wait_dma2 semaphore(%run_scoped3A : memref<!tpu.dma_semaphore, #tpu.memory_space<semaphore_mem>>) src(%dma_wait3A_34 : memref<62x80xi32, #tpu.memory_space<hbm>>) dst(%arg5 : memref<62x80xi32, #tpu.memory_space<vmem>>)
      tpu.yield
    }) : () -> ()
    %dma_start3A = arith.constant 0 : i32
    %dma_start3A_3 = arith.constant 0 : i32
    %dma_start3A_4 = tpu.memref_slice %arg5[%dma_start3A, %dma_start3A_3] : memref<62x80xi32, #tpu.memory_space<vmem>> -> memref<1x80xi32, #tpu.memory_space<vmem>>
    %dma_start3A_5 = tpu.memref_squeeze %dma_start3A_4 : memref<1x80xi32, #tpu.memory_space<vmem>> -> memref<80xi32, #tpu.memory_space<vmem>>
    %dma_start3A_6 = arith.constant 0 : i32
    %dma_start3A_7 = arith.constant 0 : i32
    %dma_start3A_8 = tpu.memref_slice %arg2[%dma_start3A_6, %dma_start3A_7] : memref<10000x128xf32, #tpu.memory_space<hbm>> -> memref<10000x128xf32, #tpu.memory_space<hbm>>
    tpu.enqueue_indirect_dma source(%dma_start3A_8 : memref<10000x128xf32, #tpu.memory_space<hbm>>) target(%arg6 : memref<80x128xf32, #tpu.memory_space<vmem>>) offsets(%dma_start3A_5 : memref<80xi32, #tpu.memory_space<vmem>>) semaphore(%arg8 : memref<!tpu.dma_semaphore, #tpu.memory_space<semaphore_mem>>)
    %scan3A = arith.constant 0 : i32
    %scan3A_9 = arith.constant 31 : i32
    %scan3A_10 = arith.addi %scan3A, %scan3A_9 : i32
    %scan3A_11 = arith.constant 1 : i32
    scf.for %scan3A_19 = %scan3A to %scan3A_10 step %scan3A_11  : i32 {
      %mul3A_20 = arith.constant 1 : i32
      %mul3A_21 = arith.muli %scan3A_19, %mul3A_20 : i32
      %add3A_22 = arith.constant 0 : i32
      %add3A_23 = arith.addi %add3A_22, %mul3A_21 : i32
      %mul3A_24 = arith.constant 2 : i32
      %mul3A_25 = arith.muli %mul3A_24, %add3A_23 : i32
      %add3A_26 = arith.constant 1 : i32
      %add3A_27 = arith.addi %mul3A_25, %add3A_26 : i32
      %dma_start3A_28 = arith.constant 0 : i32
      %dma_start3A_29 = tpu.memref_slice %arg5[%add3A_27, %dma_start3A_28] : memref<62x80xi32, #tpu.memory_space<vmem>> -> memref<1x80xi32, #tpu.memory_space<vmem>>
      %dma_start3A_30 = tpu.memref_squeeze %dma_start3A_29 : memref<1x80xi32, #tpu.memory_space<vmem>> -> memref<80xi32, #tpu.memory_space<vmem>>
      %dma_start3A_31 = arith.constant 0 : i32
      %dma_start3A_32 = arith.constant 0 : i32
      %dma_start3A_33 = tpu.memref_slice %arg2[%dma_start3A_31, %dma_start3A_32] : memref<10000x128xf32, #tpu.memory_space<hbm>> -> memref<10000x128xf32, #tpu.memory_space<hbm>>
      tpu.enqueue_indirect_dma source(%dma_start3A_33 : memref<10000x128xf32, #tpu.memory_space<hbm>>) target(%arg7 : memref<80x128xf32, #tpu.memory_space<vmem>>) offsets(%dma_start3A_30 : memref<80xi32, #tpu.memory_space<vmem>>) semaphore(%arg9 : memref<!tpu.dma_semaphore, #tpu.memory_space<semaphore_mem>>)
      %dma_wait3A_34 = arith.constant 0 : i32
      %dma_wait3A_35 = arith.constant 0 : i32
      %dma_wait3A_36 = tpu.memref_slice %arg5[%dma_wait3A_34, %dma_wait3A_35] : memref<62x80xi32, #tpu.memory_space<vmem>> -> memref<1x80xi32, #tpu.memory_space<vmem>>
      %dma_wait3A_37 = tpu.memref_squeeze %dma_wait3A_36 : memref<1x80xi32, #tpu.memory_space<vmem>> -> memref<80xi32, #tpu.memory_space<vmem>>
      %dma_wait3A_38 = arith.constant 0 : i32
      %dma_wait3A_39 = arith.constant 0 : i32
      %dma_wait3A_40 = tpu.memref_slice %arg2[%dma_wait3A_38, %dma_wait3A_39] : memref<10000x128xf32, #tpu.memory_space<hbm>> -> memref<10000x128xf32, #tpu.memory_space<hbm>>
      tpu.wait_indirect_dma semaphore(%arg8 : memref<!tpu.dma_semaphore, #tpu.memory_space<semaphore_mem>>) src(%dma_wait3A_40 : memref<10000x128xf32, #tpu.memory_space<hbm>>) dst(%arg6 : memref<80x128xf32, #tpu.memory_space<vmem>>)
      %add3A_41 = arith.addi %mul3A_2, %mul3A_25 : i32
      %mul3A_42 = arith.constant 80 : i32
      %mul3A_43 = arith.muli %add3A_41, %mul3A_42 : i32
      "tpu.region"() ({
        %run_scoped3A = tpu.sem_alloc : memref<!tpu.dma_semaphore, #tpu.memory_space<semaphore_mem>>
        %dma_start3A_65 = arith.constant 0 : i32
        %dma_start3A_66 = tpu.memref_slice %arg4[%mul3A_43, %dma_start3A_65] : memref<158720x128xf32, #tpu.memory_space<hbm>> -> memref<80x128xf32, #tpu.memory_space<hbm>>
        %dma_start3A_67 = arith.constant 0 : i32
        %dma_start3A_68 = tpu.memref_slice %arg4[%mul3A_43, %dma_start3A_67] : memref<158720x128xf32, #tpu.memory_space<hbm>> -> memref<80x128xf32, #tpu.memory_space<hbm>>
        tpu.enqueue_dma source(%arg6 : memref<80x128xf32, #tpu.memory_space<vmem>>) target(%dma_start3A_68 : memref<80x128xf32, #tpu.memory_space<hbm>>) target_semaphore(%run_scoped3A : memref<!tpu.dma_semaphore, #tpu.memory_space<semaphore_mem>>)
        %dma_wait3A_69 = arith.constant 0 : i32
        %dma_wait3A_70 = tpu.memref_slice %arg4[%mul3A_43, %dma_wait3A_69] : memref<158720x128xf32, #tpu.memory_space<hbm>> -> memref<80x128xf32, #tpu.memory_space<hbm>>
        %dma_wait3A_71 = arith.constant 0 : i32
        %dma_wait3A_72 = tpu.memref_slice %arg4[%mul3A_43, %dma_wait3A_71] : memref<158720x128xf32, #tpu.memory_space<hbm>> -> memref<80x128xf32, #tpu.memory_space<hbm>>
        tpu.wait_dma2 semaphore(%run_scoped3A : memref<!tpu.dma_semaphore, #tpu.memory_space<semaphore_mem>>) src(%arg6 : memref<80x128xf32, #tpu.memory_space<vmem>>) dst(%dma_wait3A_72 : memref<80x128xf32, #tpu.memory_space<hbm>>)
        tpu.yield
      }) : () -> ()
      %add3A_44 = arith.constant 2 : i32
      %add3A_45 = arith.addi %mul3A_25, %add3A_44 : i32
      %min3A = arith.constant 61 : i32
      %min3A_46 = arith.minsi %add3A_45, %min3A : i32
      %dma_start3A_47 = arith.constant 0 : i32
      %dma_start3A_48 = tpu.memref_slice %arg5[%min3A_46, %dma_start3A_47] : memref<62x80xi32, #tpu.memory_space<vmem>> -> memref<1x80xi32, #tpu.memory_space<vmem>>
      %dma_start3A_49 = tpu.memref_squeeze %dma_start3A_48 : memref<1x80xi32, #tpu.memory_space<vmem>> -> memref<80xi32, #tpu.memory_space<vmem>>
      %dma_start3A_50 = arith.constant 0 : i32
      %dma_start3A_51 = arith.constant 0 : i32
      %dma_start3A_52 = tpu.memref_slice %arg2[%dma_start3A_50, %dma_start3A_51] : memref<10000x128xf32, #tpu.memory_space<hbm>> -> memref<10000x128xf32, #tpu.memory_space<hbm>>
      tpu.enqueue_indirect_dma source(%dma_start3A_52 : memref<10000x128xf32, #tpu.memory_space<hbm>>) target(%arg6 : memref<80x128xf32, #tpu.memory_space<vmem>>) offsets(%dma_start3A_49 : memref<80xi32, #tpu.memory_space<vmem>>) semaphore(%arg8 : memref<!tpu.dma_semaphore, #tpu.memory_space<semaphore_mem>>)
      %dma_wait3A_53 = arith.constant 0 : i32
      %dma_wait3A_54 = arith.constant 0 : i32
      %dma_wait3A_55 = tpu.memref_slice %arg5[%dma_wait3A_53, %dma_wait3A_54] : memref<62x80xi32, #tpu.memory_space<vmem>> -> memref<1x80xi32, #tpu.memory_space<vmem>>
      %dma_wait3A_56 = tpu.memref_squeeze %dma_wait3A_55 : memref<1x80xi32, #tpu.memory_space<vmem>> -> memref<80xi32, #tpu.memory_space<vmem>>
      %dma_wait3A_57 = arith.constant 0 : i32
      %dma_wait3A_58 = arith.constant 0 : i32
      %dma_wait3A_59 = tpu.memref_slice %arg2[%dma_wait3A_57, %dma_wait3A_58] : memref<10000x128xf32, #tpu.memory_space<hbm>> -> memref<10000x128xf32, #tpu.memory_space<hbm>>
      tpu.wait_indirect_dma semaphore(%arg9 : memref<!tpu.dma_semaphore, #tpu.memory_space<semaphore_mem>>) src(%dma_wait3A_59 : memref<10000x128xf32, #tpu.memory_space<hbm>>) dst(%arg7 : memref<80x128xf32, #tpu.memory_space<vmem>>)
      %add3A_60 = arith.constant 1 : i32
      %add3A_61 = arith.addi %mul3A_25, %add3A_60 : i32
      %add3A_62 = arith.addi %mul3A_2, %add3A_61 : i32
      %mul3A_63 = arith.constant 80 : i32
      %mul3A_64 = arith.muli %add3A_62, %mul3A_63 : i32
      "tpu.region"() ({
        %run_scoped3A = tpu.sem_alloc : memref<!tpu.dma_semaphore, #tpu.memory_space<semaphore_mem>>
        %dma_start3A_65 = arith.constant 0 : i32
        %dma_start3A_66 = tpu.memref_slice %arg4[%mul3A_64, %dma_start3A_65] : memref<158720x128xf32, #tpu.memory_space<hbm>> -> memref<80x128xf32, #tpu.memory_space<hbm>>
        %dma_start3A_67 = arith.constant 0 : i32
        %dma_start3A_68 = tpu.memref_slice %arg4[%mul3A_64, %dma_start3A_67] : memref<158720x128xf32, #tpu.memory_space<hbm>> -> memref<80x128xf32, #tpu.memory_space<hbm>>
        tpu.enqueue_dma source(%arg7 : memref<80x128xf32, #tpu.memory_space<vmem>>) target(%dma_start3A_68 : memref<80x128xf32, #tpu.memory_space<hbm>>) target_semaphore(%run_scoped3A : memref<!tpu.dma_semaphore, #tpu.memory_space<semaphore_mem>>)
        %dma_wait3A_69 = arith.constant 0 : i32
        %dma_wait3A_70 = tpu.memref_slice %arg4[%mul3A_64, %dma_wait3A_69] : memref<158720x128xf32, #tpu.memory_space<hbm>> -> memref<80x128xf32, #tpu.memory_space<hbm>>
        %dma_wait3A_71 = arith.constant 0 : i32
        %dma_wait3A_72 = tpu.memref_slice %arg4[%mul3A_64, %dma_wait3A_71] : memref<158720x128xf32, #tpu.memory_space<hbm>> -> memref<80x128xf32, #tpu.memory_space<hbm>>
        tpu.wait_dma2 semaphore(%run_scoped3A : memref<!tpu.dma_semaphore, #tpu.memory_space<semaphore_mem>>) src(%arg7 : memref<80x128xf32, #tpu.memory_space<vmem>>) dst(%dma_wait3A_72 : memref<80x128xf32, #tpu.memory_space<hbm>>)
        tpu.yield
      }) : () -> ()
    }
    %scan3A_12 = arith.constant 31 : i32
    %dma_wait3A = arith.constant 0 : i32
    %dma_wait3A_13 = arith.constant 0 : i32
    %dma_wait3A_14 = tpu.memref_slice %arg5[%dma_wait3A, %dma_wait3A_13] : memref<62x80xi32, #tpu.memory_space<vmem>> -> memref<1x80xi32, #tpu.memory_space<vmem>>
    %dma_wait3A_15 = tpu.memref_squeeze %dma_wait3A_14 : memref<1x80xi32, #tpu.memory_space<vmem>> -> memref<80xi32, #tpu.memory_space<vmem>>
    %dma_wait3A_16 = arith.constant 0 : i32
    %dma_wait3A_17 = arith.constant 0 : i32
    %dma_wait3A_18 = tpu.memref_slice %arg2[%dma_wait3A_16, %dma_wait3A_17] : memref<10000x128xf32, #tpu.memory_space<hbm>> -> memref<10000x128xf32, #tpu.memory_space<hbm>>
    tpu.wait_indirect_dma semaphore(%arg8 : memref<!tpu.dma_semaphore, #tpu.memory_space<semaphore_mem>>) src(%dma_wait3A_18 : memref<10000x128xf32, #tpu.memory_space<hbm>>) dst(%arg6 : memref<80x128xf32, #tpu.memory_space<vmem>>)
    return
  }
}

#map = affine_map<(d0, d1) -> (0, 0)>
#map1 = affine_map<(d0, d1) -> (0, 0, 0)>
module attributes {stable_mosaic.version = 14 : i64} {
  func.func @k(%arg0: i32, %arg1: i32, %arg2: memref<10000x128xf32, #tpu.memory_space<hbm>>, %arg3: memref<32x63x80xi32, #tpu.memory_space<hbm>>, %arg4: memref<32x125x80xi32, #tpu.memory_space<hbm>>, %arg5: memref<161280x128xf32, #tpu.memory_space<hbm>>, %arg6: memref<32x10000xf32, #tpu.memory_space<hbm>>, %arg7: memref<63x80xi32, #tpu.memory_space<vmem>>, %arg8: memref<80x128xf32, #tpu.memory_space<vmem>>, %arg9: memref<80x128xf32, #tpu.memory_space<vmem>>, %arg10: memref<!tpu.dma_semaphore, #tpu.memory_space<semaphore_mem>>, %arg11: memref<!tpu.dma_semaphore, #tpu.memory_space<semaphore_mem>>, %arg12: memref<125x80xi32, #tpu.memory_space<vmem>>, %arg13: memref<10000xf32, #tpu.memory_space<vmem>>) attributes {dimension_semantics = [#tpu.dimension_semantics<core_parallel>, #tpu.dimension_semantics<subcore_parallel>], iteration_bounds = array<i64: 2, 16>, scalar_prefetch = 0 : i64, scratch_operands = 7 : i64, tpu.core_type = #tpu.core_type<sc_vector_subcore>, window_params = [{transform_indices = #map}, {transform_indices = #map1}, {transform_indices = #map1}, {transform_indices = #map}, {transform_indices = #map}]} {
    %mul3A = arith.constant 2 : i32
    %mul3A_0 = arith.muli %arg1, %mul3A : i32
    %add3A = arith.addi %mul3A_0, %arg0 : i32
    %mul3A_1 = arith.constant 63 : i32
    %mul3A_2 = arith.muli %add3A, %mul3A_1 : i32
    "tpu.region"() ({
      %run_scoped3A = tpu.sem_alloc : memref<!tpu.dma_semaphore, #tpu.memory_space<semaphore_mem>>
      %dma_start3A_36 = arith.constant 0 : i32
      %dma_start3A_37 = arith.constant 0 : i32
      %dma_start3A_38 = tpu.memref_slice %arg3[%add3A, %dma_start3A_36, %dma_start3A_37] : memref<32x63x80xi32, #tpu.memory_space<hbm>> -> memref<1x63x80xi32, #tpu.memory_space<hbm>>
      %dma_start3A_39 = tpu.memref_squeeze %dma_start3A_38 : memref<1x63x80xi32, #tpu.memory_space<hbm>> -> memref<63x80xi32, #tpu.memory_space<hbm>>
      %dma_start3A_40 = arith.constant 0 : i32
      %dma_start3A_41 = arith.constant 0 : i32
      %dma_start3A_42 = tpu.memref_slice %arg3[%add3A, %dma_start3A_40, %dma_start3A_41] : memref<32x63x80xi32, #tpu.memory_space<hbm>> -> memref<1x63x80xi32, #tpu.memory_space<hbm>>
      %dma_start3A_43 = tpu.memref_squeeze %dma_start3A_42 : memref<1x63x80xi32, #tpu.memory_space<hbm>> -> memref<63x80xi32, #tpu.memory_space<hbm>>
      tpu.enqueue_dma source(%dma_start3A_43 : memref<63x80xi32, #tpu.memory_space<hbm>>) target(%arg7 : memref<63x80xi32, #tpu.memory_space<vmem>>) target_semaphore(%run_scoped3A : memref<!tpu.dma_semaphore, #tpu.memory_space<semaphore_mem>>)
      %dma_wait3A_44 = arith.constant 0 : i32
      %dma_wait3A_45 = arith.constant 0 : i32
      %dma_wait3A_46 = tpu.memref_slice %arg3[%add3A, %dma_wait3A_44, %dma_wait3A_45] : memref<32x63x80xi32, #tpu.memory_space<hbm>> -> memref<1x63x80xi32, #tpu.memory_space<hbm>>
      %dma_wait3A_47 = tpu.memref_squeeze %dma_wait3A_46 : memref<1x63x80xi32, #tpu.memory_space<hbm>> -> memref<63x80xi32, #tpu.memory_space<hbm>>
      %dma_wait3A_48 = arith.constant 0 : i32
      %dma_wait3A_49 = arith.constant 0 : i32
      %dma_wait3A_50 = tpu.memref_slice %arg3[%add3A, %dma_wait3A_48, %dma_wait3A_49] : memref<32x63x80xi32, #tpu.memory_space<hbm>> -> memref<1x63x80xi32, #tpu.memory_space<hbm>>
      %dma_wait3A_51 = tpu.memref_squeeze %dma_wait3A_50 : memref<1x63x80xi32, #tpu.memory_space<hbm>> -> memref<63x80xi32, #tpu.memory_space<hbm>>
      tpu.wait_dma2 semaphore(%run_scoped3A : memref<!tpu.dma_semaphore, #tpu.memory_space<semaphore_mem>>) src(%dma_wait3A_51 : memref<63x80xi32, #tpu.memory_space<hbm>>) dst(%arg7 : memref<63x80xi32, #tpu.memory_space<vmem>>)
      tpu.yield
    }) : () -> ()
    "tpu.region"() ({
      %run_scoped3A = tpu.sem_alloc : memref<!tpu.dma_semaphore, #tpu.memory_space<semaphore_mem>>
      %dma_start3A_36 = arith.constant 0 : i32
      %dma_start3A_37 = arith.constant 0 : i32
      %dma_start3A_38 = tpu.memref_slice %arg4[%add3A, %dma_start3A_36, %dma_start3A_37] : memref<32x125x80xi32, #tpu.memory_space<hbm>> -> memref<1x125x80xi32, #tpu.memory_space<hbm>>
      %dma_start3A_39 = tpu.memref_squeeze %dma_start3A_38 : memref<1x125x80xi32, #tpu.memory_space<hbm>> -> memref<125x80xi32, #tpu.memory_space<hbm>>
      %dma_start3A_40 = arith.constant 0 : i32
      %dma_start3A_41 = arith.constant 0 : i32
      %dma_start3A_42 = tpu.memref_slice %arg4[%add3A, %dma_start3A_40, %dma_start3A_41] : memref<32x125x80xi32, #tpu.memory_space<hbm>> -> memref<1x125x80xi32, #tpu.memory_space<hbm>>
      %dma_start3A_43 = tpu.memref_squeeze %dma_start3A_42 : memref<1x125x80xi32, #tpu.memory_space<hbm>> -> memref<125x80xi32, #tpu.memory_space<hbm>>
      tpu.enqueue_dma source(%dma_start3A_43 : memref<125x80xi32, #tpu.memory_space<hbm>>) target(%arg12 : memref<125x80xi32, #tpu.memory_space<vmem>>) target_semaphore(%run_scoped3A : memref<!tpu.dma_semaphore, #tpu.memory_space<semaphore_mem>>)
      %dma_wait3A_44 = arith.constant 0 : i32
      %dma_wait3A_45 = arith.constant 0 : i32
      %dma_wait3A_46 = tpu.memref_slice %arg4[%add3A, %dma_wait3A_44, %dma_wait3A_45] : memref<32x125x80xi32, #tpu.memory_space<hbm>> -> memref<1x125x80xi32, #tpu.memory_space<hbm>>
      %dma_wait3A_47 = tpu.memref_squeeze %dma_wait3A_46 : memref<1x125x80xi32, #tpu.memory_space<hbm>> -> memref<125x80xi32, #tpu.memory_space<hbm>>
      %dma_wait3A_48 = arith.constant 0 : i32
      %dma_wait3A_49 = arith.constant 0 : i32
      %dma_wait3A_50 = tpu.memref_slice %arg4[%add3A, %dma_wait3A_48, %dma_wait3A_49] : memref<32x125x80xi32, #tpu.memory_space<hbm>> -> memref<1x125x80xi32, #tpu.memory_space<hbm>>
      %dma_wait3A_51 = tpu.memref_squeeze %dma_wait3A_50 : memref<1x125x80xi32, #tpu.memory_space<hbm>> -> memref<125x80xi32, #tpu.memory_space<hbm>>
      tpu.wait_dma2 semaphore(%run_scoped3A : memref<!tpu.dma_semaphore, #tpu.memory_space<semaphore_mem>>) src(%dma_wait3A_51 : memref<125x80xi32, #tpu.memory_space<hbm>>) dst(%arg12 : memref<125x80xi32, #tpu.memory_space<vmem>>)
      tpu.yield
    }) : () -> ()
    %broadcast_in_dim3A = arith.constant 0.000000e+00 : f32
    %broadcast_in_dim3A_3 = vector.broadcast %broadcast_in_dim3A : f32 to vector<16xf32>
    %broadcast_in_dim3A_4 = arith.constant 1.000000e+00 : f32
    %broadcast_in_dim3A_5 = vector.broadcast %broadcast_in_dim3A_4 : f32 to vector<16xf32>
    %scan3A = arith.constant 0 : i32
    %scan3A_6 = arith.constant 625 : i32
    %scan3A_7 = arith.addi %scan3A, %scan3A_6 : i32
    %scan3A_8 = arith.constant 1 : i32
    scf.for %scan3A_36 = %scan3A to %scan3A_7 step %scan3A_8  : i32 {
      %mul3A_37 = arith.constant 1 : i32
      %mul3A_38 = arith.muli %scan3A_36, %mul3A_37 : i32
      %add3A_39 = arith.constant 0 : i32
      %add3A_40 = arith.addi %add3A_39, %mul3A_38 : i32
      %mul3A_41 = arith.constant 16 : i32
      %mul3A_42 = arith.muli %add3A_40, %mul3A_41 : i32
      %swap3A = arith.index_cast %mul3A_42 : i32 to index
      %swap3A_43 = tpu.vector_load %arg13[%swap3A] {strides = array<i32>} : memref<10000xf32, #tpu.memory_space<vmem>>, vector<16xf32>,
      tpu.vector_store %arg13[%swap3A], %broadcast_in_dim3A_3 {strides = array<i32>} : memref<10000xf32, #tpu.memory_space<vmem>>, vector<16xf32>,
    }
    %scan3A_9 = arith.constant 625 : i32
    %scan3A_10 = arith.constant 0 : i32
    %scan3A_11 = arith.constant 125 : i32
    %scan3A_12 = arith.addi %scan3A_10, %scan3A_11 : i32
    %scan3A_13 = arith.constant 1 : i32
    scf.for %scan3A_36 = %scan3A_10 to %scan3A_12 step %scan3A_13  : i32 {
      %mul3A_37 = arith.constant 1 : i32
      %mul3A_38 = arith.muli %scan3A_36, %mul3A_37 : i32
      %add3A_39 = arith.constant 0 : i32
      %add3A_40 = arith.addi %add3A_39, %mul3A_38 : i32
      %scan3A_41 = arith.constant 0 : i32
      %scan3A_42 = arith.constant 5 : i32
      %scan3A_43 = arith.addi %scan3A_41, %scan3A_42 : i32
      %scan3A_44 = arith.constant 1 : i32
      scf.for %scan3A_46 = %scan3A_41 to %scan3A_43 step %scan3A_44  : i32 {
        %mul3A_47 = arith.constant 1 : i32
        %mul3A_48 = arith.muli %scan3A_46, %mul3A_47 : i32
        %add3A_49 = arith.constant 0 : i32
        %add3A_50 = arith.addi %add3A_49, %mul3A_48 : i32
        %mul3A_51 = arith.constant 16 : i32
        %mul3A_52 = arith.muli %add3A_50, %mul3A_51 : i32
        %get3A = arith.index_cast %add3A_40 : i32 to index
        %get3A_53 = arith.index_cast %mul3A_52 : i32 to index
        %get3A_54 = tpu.vector_load %arg12[%get3A, %get3A_53] {strides = array<i32>} : memref<125x80xi32, #tpu.memory_space<vmem>>, vector<16xi32>,
        tpu.vector_store_idx %arg13[%get3A_54], %broadcast_in_dim3A_5 {add = true} : memref<10000xf32, #tpu.memory_space<vmem>>[vector<16xi32>], vector<16xf32>,
      }
      %scan3A_45 = arith.constant 5 : i32
    }
    %scan3A_14 = arith.constant 125 : i32
    %dma_start3A = arith.constant 0 : i32
    %dma_start3A_15 = arith.constant 0 : i32
    %dma_start3A_16 = tpu.memref_slice %arg7[%dma_start3A, %dma_start3A_15] : memref<63x80xi32, #tpu.memory_space<vmem>> -> memref<1x80xi32, #tpu.memory_space<vmem>>
    %dma_start3A_17 = tpu.memref_squeeze %dma_start3A_16 : memref<1x80xi32, #tpu.memory_space<vmem>> -> memref<80xi32, #tpu.memory_space<vmem>>
    %dma_start3A_18 = arith.constant 0 : i32
    %dma_start3A_19 = arith.constant 0 : i32
    %dma_start3A_20 = tpu.memref_slice %arg2[%dma_start3A_18, %dma_start3A_19] : memref<10000x128xf32, #tpu.memory_space<hbm>> -> memref<10000x128xf32, #tpu.memory_space<hbm>>
    tpu.enqueue_indirect_dma source(%dma_start3A_20 : memref<10000x128xf32, #tpu.memory_space<hbm>>) target(%arg8 : memref<80x128xf32, #tpu.memory_space<vmem>>) offsets(%dma_start3A_17 : memref<80xi32, #tpu.memory_space<vmem>>) semaphore(%arg10 : memref<!tpu.dma_semaphore, #tpu.memory_space<semaphore_mem>>)
    %scan3A_21 = arith.constant 0 : i32
    %scan3A_22 = arith.constant 31 : i32
    %scan3A_23 = arith.addi %scan3A_21, %scan3A_22 : i32
    %scan3A_24 = arith.constant 1 : i32
    scf.for %scan3A_36 = %scan3A_21 to %scan3A_23 step %scan3A_24  : i32 {
      %mul3A_37 = arith.constant 1 : i32
      %mul3A_38 = arith.muli %scan3A_36, %mul3A_37 : i32
      %add3A_39 = arith.constant 0 : i32
      %add3A_40 = arith.addi %add3A_39, %mul3A_38 : i32
      %mul3A_41 = arith.constant 2 : i32
      %mul3A_42 = arith.muli %mul3A_41, %add3A_40 : i32
      %add3A_43 = arith.constant 1 : i32
      %add3A_44 = arith.addi %mul3A_42, %add3A_43 : i32
      %dma_start3A_45 = arith.constant 0 : i32
      %dma_start3A_46 = tpu.memref_slice %arg7[%add3A_44, %dma_start3A_45] : memref<63x80xi32, #tpu.memory_space<vmem>> -> memref<1x80xi32, #tpu.memory_space<vmem>>
      %dma_start3A_47 = tpu.memref_squeeze %dma_start3A_46 : memref<1x80xi32, #tpu.memory_space<vmem>> -> memref<80xi32, #tpu.memory_space<vmem>>
      %dma_start3A_48 = arith.constant 0 : i32
      %dma_start3A_49 = arith.constant 0 : i32
      %dma_start3A_50 = tpu.memref_slice %arg2[%dma_start3A_48, %dma_start3A_49] : memref<10000x128xf32, #tpu.memory_space<hbm>> -> memref<10000x128xf32, #tpu.memory_space<hbm>>
      tpu.enqueue_indirect_dma source(%dma_start3A_50 : memref<10000x128xf32, #tpu.memory_space<hbm>>) target(%arg9 : memref<80x128xf32, #tpu.memory_space<vmem>>) offsets(%dma_start3A_47 : memref<80xi32, #tpu.memory_space<vmem>>) semaphore(%arg11 : memref<!tpu.dma_semaphore, #tpu.memory_space<semaphore_mem>>)
      %dma_wait3A_51 = arith.constant 0 : i32
      %dma_wait3A_52 = arith.constant 0 : i32
      %dma_wait3A_53 = tpu.memref_slice %arg7[%dma_wait3A_51, %dma_wait3A_52] : memref<63x80xi32, #tpu.memory_space<vmem>> -> memref<1x80xi32, #tpu.memory_space<vmem>>
      %dma_wait3A_54 = tpu.memref_squeeze %dma_wait3A_53 : memref<1x80xi32, #tpu.memory_space<vmem>> -> memref<80xi32, #tpu.memory_space<vmem>>
      %dma_wait3A_55 = arith.constant 0 : i32
      %dma_wait3A_56 = arith.constant 0 : i32
      %dma_wait3A_57 = tpu.memref_slice %arg2[%dma_wait3A_55, %dma_wait3A_56] : memref<10000x128xf32, #tpu.memory_space<hbm>> -> memref<10000x128xf32, #tpu.memory_space<hbm>>
      tpu.wait_indirect_dma semaphore(%arg10 : memref<!tpu.dma_semaphore, #tpu.memory_space<semaphore_mem>>) src(%dma_wait3A_57 : memref<10000x128xf32, #tpu.memory_space<hbm>>) dst(%arg8 : memref<80x128xf32, #tpu.memory_space<vmem>>)
      %add3A_58 = arith.addi %mul3A_2, %mul3A_42 : i32
      %mul3A_59 = arith.constant 80 : i32
      %mul3A_60 = arith.muli %add3A_58, %mul3A_59 : i32
      "tpu.region"() ({
        %run_scoped3A = tpu.sem_alloc : memref<!tpu.dma_semaphore, #tpu.memory_space<semaphore_mem>>
        %dma_start3A_82 = arith.constant 0 : i32
        %dma_start3A_83 = tpu.memref_slice %arg5[%mul3A_60, %dma_start3A_82] : memref<161280x128xf32, #tpu.memory_space<hbm>> -> memref<80x128xf32, #tpu.memory_space<hbm>>
        %dma_start3A_84 = arith.constant 0 : i32
        %dma_start3A_85 = tpu.memref_slice %arg5[%mul3A_60, %dma_start3A_84] : memref<161280x128xf32, #tpu.memory_space<hbm>> -> memref<80x128xf32, #tpu.memory_space<hbm>>
        tpu.enqueue_dma source(%arg8 : memref<80x128xf32, #tpu.memory_space<vmem>>) target(%dma_start3A_85 : memref<80x128xf32, #tpu.memory_space<hbm>>) target_semaphore(%run_scoped3A : memref<!tpu.dma_semaphore, #tpu.memory_space<semaphore_mem>>)
        %dma_wait3A_86 = arith.constant 0 : i32
        %dma_wait3A_87 = tpu.memref_slice %arg5[%mul3A_60, %dma_wait3A_86] : memref<161280x128xf32, #tpu.memory_space<hbm>> -> memref<80x128xf32, #tpu.memory_space<hbm>>
        %dma_wait3A_88 = arith.constant 0 : i32
        %dma_wait3A_89 = tpu.memref_slice %arg5[%mul3A_60, %dma_wait3A_88] : memref<161280x128xf32, #tpu.memory_space<hbm>> -> memref<80x128xf32, #tpu.memory_space<hbm>>
        tpu.wait_dma2 semaphore(%run_scoped3A : memref<!tpu.dma_semaphore, #tpu.memory_space<semaphore_mem>>) src(%arg8 : memref<80x128xf32, #tpu.memory_space<vmem>>) dst(%dma_wait3A_89 : memref<80x128xf32, #tpu.memory_space<hbm>>)
        tpu.yield
      }) : () -> ()
      %add3A_61 = arith.constant 2 : i32
      %add3A_62 = arith.addi %mul3A_42, %add3A_61 : i32
      %min3A = arith.constant 62 : i32
      %min3A_63 = arith.minsi %add3A_62, %min3A : i32
      %dma_start3A_64 = arith.constant 0 : i32
      %dma_start3A_65 = tpu.memref_slice %arg7[%min3A_63, %dma_start3A_64] : memref<63x80xi32, #tpu.memory_space<vmem>> -> memref<1x80xi32, #tpu.memory_space<vmem>>
      %dma_start3A_66 = tpu.memref_squeeze %dma_start3A_65 : memref<1x80xi32, #tpu.memory_space<vmem>> -> memref<80xi32, #tpu.memory_space<vmem>>
      %dma_start3A_67 = arith.constant 0 : i32
      %dma_start3A_68 = arith.constant 0 : i32
      %dma_start3A_69 = tpu.memref_slice %arg2[%dma_start3A_67, %dma_start3A_68] : memref<10000x128xf32, #tpu.memory_space<hbm>> -> memref<10000x128xf32, #tpu.memory_space<hbm>>
      tpu.enqueue_indirect_dma source(%dma_start3A_69 : memref<10000x128xf32, #tpu.memory_space<hbm>>) target(%arg8 : memref<80x128xf32, #tpu.memory_space<vmem>>) offsets(%dma_start3A_66 : memref<80xi32, #tpu.memory_space<vmem>>) semaphore(%arg10 : memref<!tpu.dma_semaphore, #tpu.memory_space<semaphore_mem>>)
      %dma_wait3A_70 = arith.constant 0 : i32
      %dma_wait3A_71 = arith.constant 0 : i32
      %dma_wait3A_72 = tpu.memref_slice %arg7[%dma_wait3A_70, %dma_wait3A_71] : memref<63x80xi32, #tpu.memory_space<vmem>> -> memref<1x80xi32, #tpu.memory_space<vmem>>
      %dma_wait3A_73 = tpu.memref_squeeze %dma_wait3A_72 : memref<1x80xi32, #tpu.memory_space<vmem>> -> memref<80xi32, #tpu.memory_space<vmem>>
      %dma_wait3A_74 = arith.constant 0 : i32
      %dma_wait3A_75 = arith.constant 0 : i32
      %dma_wait3A_76 = tpu.memref_slice %arg2[%dma_wait3A_74, %dma_wait3A_75] : memref<10000x128xf32, #tpu.memory_space<hbm>> -> memref<10000x128xf32, #tpu.memory_space<hbm>>
      tpu.wait_indirect_dma semaphore(%arg11 : memref<!tpu.dma_semaphore, #tpu.memory_space<semaphore_mem>>) src(%dma_wait3A_76 : memref<10000x128xf32, #tpu.memory_space<hbm>>) dst(%arg9 : memref<80x128xf32, #tpu.memory_space<vmem>>)
      %add3A_77 = arith.constant 1 : i32
      %add3A_78 = arith.addi %mul3A_42, %add3A_77 : i32
      %add3A_79 = arith.addi %mul3A_2, %add3A_78 : i32
      %mul3A_80 = arith.constant 80 : i32
      %mul3A_81 = arith.muli %add3A_79, %mul3A_80 : i32
      "tpu.region"() ({
        %run_scoped3A = tpu.sem_alloc : memref<!tpu.dma_semaphore, #tpu.memory_space<semaphore_mem>>
        %dma_start3A_82 = arith.constant 0 : i32
        %dma_start3A_83 = tpu.memref_slice %arg5[%mul3A_81, %dma_start3A_82] : memref<161280x128xf32, #tpu.memory_space<hbm>> -> memref<80x128xf32, #tpu.memory_space<hbm>>
        %dma_start3A_84 = arith.constant 0 : i32
        %dma_start3A_85 = tpu.memref_slice %arg5[%mul3A_81, %dma_start3A_84] : memref<161280x128xf32, #tpu.memory_space<hbm>> -> memref<80x128xf32, #tpu.memory_space<hbm>>
        tpu.enqueue_dma source(%arg9 : memref<80x128xf32, #tpu.memory_space<vmem>>) target(%dma_start3A_85 : memref<80x128xf32, #tpu.memory_space<hbm>>) target_semaphore(%run_scoped3A : memref<!tpu.dma_semaphore, #tpu.memory_space<semaphore_mem>>)
        %dma_wait3A_86 = arith.constant 0 : i32
        %dma_wait3A_87 = tpu.memref_slice %arg5[%mul3A_81, %dma_wait3A_86] : memref<161280x128xf32, #tpu.memory_space<hbm>> -> memref<80x128xf32, #tpu.memory_space<hbm>>
        %dma_wait3A_88 = arith.constant 0 : i32
        %dma_wait3A_89 = tpu.memref_slice %arg5[%mul3A_81, %dma_wait3A_88] : memref<161280x128xf32, #tpu.memory_space<hbm>> -> memref<80x128xf32, #tpu.memory_space<hbm>>
        tpu.wait_dma2 semaphore(%run_scoped3A : memref<!tpu.dma_semaphore, #tpu.memory_space<semaphore_mem>>) src(%arg9 : memref<80x128xf32, #tpu.memory_space<vmem>>) dst(%dma_wait3A_89 : memref<80x128xf32, #tpu.memory_space<hbm>>)
        tpu.yield
      }) : () -> ()
    }
    %scan3A_25 = arith.constant 31 : i32
    %dma_wait3A = arith.constant 0 : i32
    %dma_wait3A_26 = arith.constant 0 : i32
    %dma_wait3A_27 = tpu.memref_slice %arg7[%dma_wait3A, %dma_wait3A_26] : memref<63x80xi32, #tpu.memory_space<vmem>> -> memref<1x80xi32, #tpu.memory_space<vmem>>
    %dma_wait3A_28 = tpu.memref_squeeze %dma_wait3A_27 : memref<1x80xi32, #tpu.memory_space<vmem>> -> memref<80xi32, #tpu.memory_space<vmem>>
    %dma_wait3A_29 = arith.constant 0 : i32
    %dma_wait3A_30 = arith.constant 0 : i32
    %dma_wait3A_31 = tpu.memref_slice %arg2[%dma_wait3A_29, %dma_wait3A_30] : memref<10000x128xf32, #tpu.memory_space<hbm>> -> memref<10000x128xf32, #tpu.memory_space<hbm>>
    tpu.wait_indirect_dma semaphore(%arg10 : memref<!tpu.dma_semaphore, #tpu.memory_space<semaphore_mem>>) src(%dma_wait3A_31 : memref<10000x128xf32, #tpu.memory_space<hbm>>) dst(%arg8 : memref<80x128xf32, #tpu.memory_space<vmem>>)
    %add3A_32 = arith.constant 62 : i32
    %add3A_33 = arith.addi %mul3A_2, %add3A_32 : i32
    %mul3A_34 = arith.constant 80 : i32
    %mul3A_35 = arith.muli %add3A_33, %mul3A_34 : i32
    "tpu.region"() ({
      %run_scoped3A = tpu.sem_alloc : memref<!tpu.dma_semaphore, #tpu.memory_space<semaphore_mem>>
      %dma_start3A_36 = arith.constant 0 : i32
      %dma_start3A_37 = tpu.memref_slice %arg5[%mul3A_35, %dma_start3A_36] : memref<161280x128xf32, #tpu.memory_space<hbm>> -> memref<80x128xf32, #tpu.memory_space<hbm>>
      %dma_start3A_38 = arith.constant 0 : i32
      %dma_start3A_39 = tpu.memref_slice %arg5[%mul3A_35, %dma_start3A_38] : memref<161280x128xf32, #tpu.memory_space<hbm>> -> memref<80x128xf32, #tpu.memory_space<hbm>>
      tpu.enqueue_dma source(%arg8 : memref<80x128xf32, #tpu.memory_space<vmem>>) target(%dma_start3A_39 : memref<80x128xf32, #tpu.memory_space<hbm>>) target_semaphore(%run_scoped3A : memref<!tpu.dma_semaphore, #tpu.memory_space<semaphore_mem>>)
      %dma_wait3A_40 = arith.constant 0 : i32
      %dma_wait3A_41 = tpu.memref_slice %arg5[%mul3A_35, %dma_wait3A_40] : memref<161280x128xf32, #tpu.memory_space<hbm>> -> memref<80x128xf32, #tpu.memory_space<hbm>>
      %dma_wait3A_42 = arith.constant 0 : i32
      %dma_wait3A_43 = tpu.memref_slice %arg5[%mul3A_35, %dma_wait3A_42] : memref<161280x128xf32, #tpu.memory_space<hbm>> -> memref<80x128xf32, #tpu.memory_space<hbm>>
      tpu.wait_dma2 semaphore(%run_scoped3A : memref<!tpu.dma_semaphore, #tpu.memory_space<semaphore_mem>>) src(%arg8 : memref<80x128xf32, #tpu.memory_space<vmem>>) dst(%dma_wait3A_43 : memref<80x128xf32, #tpu.memory_space<hbm>>)
      tpu.yield
    }) : () -> ()
    "tpu.region"() ({
      %run_scoped3A = tpu.sem_alloc : memref<!tpu.dma_semaphore, #tpu.memory_space<semaphore_mem>>
      %dma_start3A_36 = arith.constant 0 : i32
      %dma_start3A_37 = tpu.memref_slice %arg6[%add3A, %dma_start3A_36] : memref<32x10000xf32, #tpu.memory_space<hbm>> -> memref<1x10000xf32, #tpu.memory_space<hbm>>
      %dma_start3A_38 = tpu.memref_squeeze %dma_start3A_37 : memref<1x10000xf32, #tpu.memory_space<hbm>> -> memref<10000xf32, #tpu.memory_space<hbm>>
      %dma_start3A_39 = arith.constant 0 : i32
      %dma_start3A_40 = tpu.memref_slice %arg6[%add3A, %dma_start3A_39] : memref<32x10000xf32, #tpu.memory_space<hbm>> -> memref<1x10000xf32, #tpu.memory_space<hbm>>
      %dma_start3A_41 = tpu.memref_squeeze %dma_start3A_40 : memref<1x10000xf32, #tpu.memory_space<hbm>> -> memref<10000xf32, #tpu.memory_space<hbm>>
      tpu.enqueue_dma source(%arg13 : memref<10000xf32, #tpu.memory_space<vmem>>) target(%dma_start3A_41 : memref<10000xf32, #tpu.memory_space<hbm>>) target_semaphore(%run_scoped3A : memref<!tpu.dma_semaphore, #tpu.memory_space<semaphore_mem>>)
      %dma_wait3A_42 = arith.constant 0 : i32
      %dma_wait3A_43 = tpu.memref_slice %arg6[%add3A, %dma_wait3A_42] : memref<32x10000xf32, #tpu.memory_space<hbm>> -> memref<1x10000xf32, #tpu.memory_space<hbm>>
      %dma_wait3A_44 = tpu.memref_squeeze %dma_wait3A_43 : memref<1x10000xf32, #tpu.memory_space<hbm>> -> memref<10000xf32, #tpu.memory_space<hbm>>
      %dma_wait3A_45 = arith.constant 0 : i32
      %dma_wait3A_46 = tpu.memref_slice %arg6[%add3A, %dma_wait3A_45] : memref<32x10000xf32, #tpu.memory_space<hbm>> -> memref<1x10000xf32, #tpu.memory_space<hbm>>
      %dma_wait3A_47 = tpu.memref_squeeze %dma_wait3A_46 : memref<1x10000xf32, #tpu.memory_space<hbm>> -> memref<10000xf32, #tpu.memory_space<hbm>>
      tpu.wait_dma2 semaphore(%run_scoped3A : memref<!tpu.dma_semaphore, #tpu.memory_space<semaphore_mem>>) src(%arg13 : memref<10000xf32, #tpu.memory_space<vmem>>) dst(%dma_wait3A_47 : memref<10000xf32, #tpu.memory_space<hbm>>)
      tpu.yield
    }) : () -> ()
    return
  }
}

#map = affine_map<(d0, d1) -> (0, 0)>
#map1 = affine_map<(d0, d1) -> (0, 0, 0)>
module attributes {stable_mosaic.version = 14 : i64} {
  func.func @k(%arg0: i32, %arg1: i32, %arg2: memref<161280x128xf32, #tpu.memory_space<hbm>>, %arg3: memref<32x63x80xi32, #tpu.memory_space<hbm>>, %arg4: memref<10000x128xf32, #tpu.memory_space<hbm>>, %arg5: memref<2x10000x128xf32, #tpu.memory_space<hbm>>, %arg6: memref<63x80xi32, #tpu.memory_space<vmem>>, %arg7: memref<80x128xf32, #tpu.memory_space<vmem>>, %arg8: memref<80x128xf32, #tpu.memory_space<vmem>>, %arg9: memref<10000x128xf32, #tpu.memory_space<vmem_shared>>, %arg10: memref<!tpu.dma_semaphore, #tpu.memory_space<semaphore_mem>>, %arg11: memref<!tpu.dma_semaphore, #tpu.memory_space<semaphore_mem>>) attributes {dimension_semantics = [#tpu.dimension_semantics<core_parallel>, #tpu.dimension_semantics<subcore_parallel>], iteration_bounds = array<i64: 2, 16>, scalar_prefetch = 0 : i64, scratch_operands = 6 : i64, tpu.core_type = #tpu.core_type<sc_vector_subcore>, window_params = [{transform_indices = #map}, {transform_indices = #map1}, {transform_indices = #map}, {transform_indices = #map1}]} {
    %mul3A = arith.constant 2 : i32
    %mul3A_0 = arith.muli %arg1, %mul3A : i32
    %add3A = arith.addi %mul3A_0, %arg0 : i32
    %mul3A_1 = arith.constant 63 : i32
    %mul3A_2 = arith.muli %add3A, %mul3A_1 : i32
    "tpu.region"() ({
      %run_scoped3A_27 = tpu.sem_alloc : memref<!tpu.dma_semaphore, #tpu.memory_space<semaphore_mem>>
      %dma_start3A_28 = arith.constant 0 : i32
      %dma_start3A_29 = arith.constant 0 : i32
      %dma_start3A_30 = tpu.memref_slice %arg3[%add3A, %dma_start3A_28, %dma_start3A_29] : memref<32x63x80xi32, #tpu.memory_space<hbm>> -> memref<1x63x80xi32, #tpu.memory_space<hbm>>
      %dma_start3A_31 = tpu.memref_squeeze %dma_start3A_30 : memref<1x63x80xi32, #tpu.memory_space<hbm>> -> memref<63x80xi32, #tpu.memory_space<hbm>>
      %dma_start3A_32 = arith.constant 0 : i32
      %dma_start3A_33 = arith.constant 0 : i32
      %dma_start3A_34 = tpu.memref_slice %arg3[%add3A, %dma_start3A_32, %dma_start3A_33] : memref<32x63x80xi32, #tpu.memory_space<hbm>> -> memref<1x63x80xi32, #tpu.memory_space<hbm>>
      %dma_start3A_35 = tpu.memref_squeeze %dma_start3A_34 : memref<1x63x80xi32, #tpu.memory_space<hbm>> -> memref<63x80xi32, #tpu.memory_space<hbm>>
      tpu.enqueue_dma source(%dma_start3A_35 : memref<63x80xi32, #tpu.memory_space<hbm>>) target(%arg6 : memref<63x80xi32, #tpu.memory_space<vmem>>) target_semaphore(%run_scoped3A_27 : memref<!tpu.dma_semaphore, #tpu.memory_space<semaphore_mem>>)
      %dma_wait3A_36 = arith.constant 0 : i32
      %dma_wait3A_37 = arith.constant 0 : i32
      %dma_wait3A_38 = tpu.memref_slice %arg3[%add3A, %dma_wait3A_36, %dma_wait3A_37] : memref<32x63x80xi32, #tpu.memory_space<hbm>> -> memref<1x63x80xi32, #tpu.memory_space<hbm>>
      %dma_wait3A_39 = tpu.memref_squeeze %dma_wait3A_38 : memref<1x63x80xi32, #tpu.memory_space<hbm>> -> memref<63x80xi32, #tpu.memory_space<hbm>>
      %dma_wait3A_40 = arith.constant 0 : i32
      %dma_wait3A_41 = arith.constant 0 : i32
      %dma_wait3A_42 = tpu.memref_slice %arg3[%add3A, %dma_wait3A_40, %dma_wait3A_41] : memref<32x63x80xi32, #tpu.memory_space<hbm>> -> memref<1x63x80xi32, #tpu.memory_space<hbm>>
      %dma_wait3A_43 = tpu.memref_squeeze %dma_wait3A_42 : memref<1x63x80xi32, #tpu.memory_space<hbm>> -> memref<63x80xi32, #tpu.memory_space<hbm>>
      tpu.wait_dma2 semaphore(%run_scoped3A_27 : memref<!tpu.dma_semaphore, #tpu.memory_space<semaphore_mem>>) src(%dma_wait3A_43 : memref<63x80xi32, #tpu.memory_space<hbm>>) dst(%arg6 : memref<63x80xi32, #tpu.memory_space<vmem>>)
      tpu.yield
    }) : () -> ()
    %eq3A = arith.constant 0 : i32
    %eq3A_3 = arith.cmpi eq, %arg1, %eq3A : i32
    %convert_element_type3A = arith.extui %eq3A_3 : i1 to i32
    %cond3A = arith.constant 0 : i32
    %cond3A_4 = arith.cmpi ne, %convert_element_type3A, %cond3A : i32
    scf.if %cond3A_4 {
      "tpu.region"() ({
        %run_scoped3A_27 = tpu.sem_alloc : memref<!tpu.dma_semaphore, #tpu.memory_space<semaphore_mem>>
        tpu.enqueue_dma source(%arg4 : memref<10000x128xf32, #tpu.memory_space<hbm>>) target(%arg9 : memref<10000x128xf32, #tpu.memory_space<vmem_shared>>) target_semaphore(%run_scoped3A_27 : memref<!tpu.dma_semaphore, #tpu.memory_space<semaphore_mem>>)
        tpu.wait_dma2 semaphore(%run_scoped3A_27 : memref<!tpu.dma_semaphore, #tpu.memory_space<semaphore_mem>>) src(%arg4 : memref<10000x128xf32, #tpu.memory_space<hbm>>) dst(%arg9 : memref<10000x128xf32, #tpu.memory_space<vmem_shared>>)
        tpu.yield
      }) : () -> ()
    } else {
    }
    %barrier3A = arith.constant 0 : index
    tpu.barrier barrier_id(%barrier3A)
    %add3A_5 = arith.constant 0 : i32
    %add3A_6 = arith.addi %mul3A_2, %add3A_5 : i32
    %mul3A_7 = arith.constant 80 : i32
    %mul3A_8 = arith.muli %add3A_6, %mul3A_7 : i32
    %dma_start3A = arith.constant 0 : i32
    %dma_start3A_9 = tpu.memref_slice %arg2[%mul3A_8, %dma_start3A] : memref<161280x128xf32, #tpu.memory_space<hbm>> -> memref<80x128xf32, #tpu.memory_space<hbm>>
    %dma_start3A_10 = arith.constant 0 : i32
    %dma_start3A_11 = tpu.memref_slice %arg2[%mul3A_8, %dma_start3A_10] : memref<161280x128xf32, #tpu.memory_space<hbm>> -> memref<80x128xf32, #tpu.memory_space<hbm>>
    tpu.enqueue_dma source(%dma_start3A_11 : memref<80x128xf32, #tpu.memory_space<hbm>>) target(%arg7 : memref<80x128xf32, #tpu.memory_space<vmem>>) target_semaphore(%arg10 : memref<!tpu.dma_semaphore, #tpu.memory_space<semaphore_mem>>)
    %scan3A = arith.constant 0 : i32
    %scan3A_12 = arith.constant 31 : i32
    %scan3A_13 = arith.addi %scan3A, %scan3A_12 : i32
    %scan3A_14 = arith.constant 1 : i32
    scf.for %scan3A_27 = %scan3A to %scan3A_13 step %scan3A_14  : i32 {
      %mul3A_28 = arith.constant 1 : i32
      %mul3A_29 = arith.muli %scan3A_27, %mul3A_28 : i32
      %add3A_30 = arith.constant 0 : i32
      %add3A_31 = arith.addi %add3A_30, %mul3A_29 : i32
      %mul3A_32 = arith.constant 2 : i32
      %mul3A_33 = arith.muli %mul3A_32, %add3A_31 : i32
      %add3A_34 = arith.constant 1 : i32
      %add3A_35 = arith.addi %mul3A_33, %add3A_34 : i32
      %add3A_36 = arith.addi %mul3A_2, %add3A_35 : i32
      %mul3A_37 = arith.constant 80 : i32
      %mul3A_38 = arith.muli %add3A_36, %mul3A_37 : i32
      %dma_start3A_39 = arith.constant 0 : i32
      %dma_start3A_40 = tpu.memref_slice %arg2[%mul3A_38, %dma_start3A_39] : memref<161280x128xf32, #tpu.memory_space<hbm>> -> memref<80x128xf32, #tpu.memory_space<hbm>>
      %dma_start3A_41 = arith.constant 0 : i32
      %dma_start3A_42 = tpu.memref_slice %arg2[%mul3A_38, %dma_start3A_41] : memref<161280x128xf32, #tpu.memory_space<hbm>> -> memref<80x128xf32, #tpu.memory_space<hbm>>
      tpu.enqueue_dma source(%dma_start3A_42 : memref<80x128xf32, #tpu.memory_space<hbm>>) target(%arg8 : memref<80x128xf32, #tpu.memory_space<vmem>>) target_semaphore(%arg11 : memref<!tpu.dma_semaphore, #tpu.memory_space<semaphore_mem>>)
      %dma_wait3A_43 = arith.constant 0 : i32
      %dma_wait3A_44 = arith.constant 0 : i32
      %dma_wait3A_45 = tpu.memref_slice %arg2[%dma_wait3A_43, %dma_wait3A_44] : memref<161280x128xf32, #tpu.memory_space<hbm>> -> memref<80x128xf32, #tpu.memory_space<hbm>>
      %dma_wait3A_46 = arith.constant 0 : i32
      %dma_wait3A_47 = arith.constant 0 : i32
      %dma_wait3A_48 = tpu.memref_slice %arg2[%dma_wait3A_46, %dma_wait3A_47] : memref<161280x128xf32, #tpu.memory_space<hbm>> -> memref<80x128xf32, #tpu.memory_space<hbm>>
      tpu.wait_dma2 semaphore(%arg10 : memref<!tpu.dma_semaphore, #tpu.memory_space<semaphore_mem>>) src(%dma_wait3A_48 : memref<80x128xf32, #tpu.memory_space<hbm>>) dst(%arg7 : memref<80x128xf32, #tpu.memory_space<vmem>>)
      "tpu.region"() ({
        %run_scoped3A_67 = tpu.sem_alloc : memref<!tpu.dma_semaphore, #tpu.memory_space<semaphore_mem>>
        %dma_start3A_68 = arith.constant 0 : i32
        %dma_start3A_69 = tpu.memref_slice %arg6[%mul3A_33, %dma_start3A_68] : memref<63x80xi32, #tpu.memory_space<vmem>> -> memref<1x80xi32, #tpu.memory_space<vmem>>
        %dma_start3A_70 = tpu.memref_squeeze %dma_start3A_69 : memref<1x80xi32, #tpu.memory_space<vmem>> -> memref<80xi32, #tpu.memory_space<vmem>>
        %dma_start3A_71 = arith.constant 0 : i32
        %dma_start3A_72 = arith.constant 0 : i32
        %dma_start3A_73 = tpu.memref_slice %arg9[%dma_start3A_71, %dma_start3A_72] : memref<10000x128xf32, #tpu.memory_space<vmem_shared>> -> memref<10000x128xf32, #tpu.memory_space<vmem_shared>>
        tpu.enqueue_indirect_dma source(%arg7 : memref<80x128xf32, #tpu.memory_space<vmem>>) target(%dma_start3A_73 : memref<10000x128xf32, #tpu.memory_space<vmem_shared>>) offsets(%dma_start3A_70 : memref<80xi32, #tpu.memory_space<vmem>>) semaphore(%run_scoped3A_67 : memref<!tpu.dma_semaphore, #tpu.memory_space<semaphore_mem>>) {add = true}
        %dma_wait3A_74 = arith.constant 0 : i32
        %dma_wait3A_75 = tpu.memref_slice %arg6[%mul3A_33, %dma_wait3A_74] : memref<63x80xi32, #tpu.memory_space<vmem>> -> memref<1x80xi32, #tpu.memory_space<vmem>>
        %dma_wait3A_76 = tpu.memref_squeeze %dma_wait3A_75 : memref<1x80xi32, #tpu.memory_space<vmem>> -> memref<80xi32, #tpu.memory_space<vmem>>
        %dma_wait3A_77 = arith.constant 0 : i32
        %dma_wait3A_78 = arith.constant 0 : i32
        %dma_wait3A_79 = tpu.memref_slice %arg9[%dma_wait3A_77, %dma_wait3A_78] : memref<10000x128xf32, #tpu.memory_space<vmem_shared>> -> memref<10000x128xf32, #tpu.memory_space<vmem_shared>>
        tpu.wait_indirect_dma semaphore(%run_scoped3A_67 : memref<!tpu.dma_semaphore, #tpu.memory_space<semaphore_mem>>) src(%arg7 : memref<80x128xf32, #tpu.memory_space<vmem>>) dst(%dma_wait3A_79 : memref<10000x128xf32, #tpu.memory_space<vmem_shared>>)
        tpu.yield
      }) : () -> ()
      %add3A_49 = arith.constant 2 : i32
      %add3A_50 = arith.addi %mul3A_33, %add3A_49 : i32
      %min3A = arith.constant 62 : i32
      %min3A_51 = arith.minsi %add3A_50, %min3A : i32
      %add3A_52 = arith.addi %mul3A_2, %min3A_51 : i32
      %mul3A_53 = arith.constant 80 : i32
      %mul3A_54 = arith.muli %add3A_52, %mul3A_53 : i32
      %dma_start3A_55 = arith.constant 0 : i32
      %dma_start3A_56 = tpu.memref_slice %arg2[%mul3A_54, %dma_start3A_55] : memref<161280x128xf32, #tpu.memory_space<hbm>> -> memref<80x128xf32, #tpu.memory_space<hbm>>
      %dma_start3A_57 = arith.constant 0 : i32
      %dma_start3A_58 = tpu.memref_slice %arg2[%mul3A_54, %dma_start3A_57] : memref<161280x128xf32, #tpu.memory_space<hbm>> -> memref<80x128xf32, #tpu.memory_space<hbm>>
      tpu.enqueue_dma source(%dma_start3A_58 : memref<80x128xf32, #tpu.memory_space<hbm>>) target(%arg7 : memref<80x128xf32, #tpu.memory_space<vmem>>) target_semaphore(%arg10 : memref<!tpu.dma_semaphore, #tpu.memory_space<semaphore_mem>>)
      %dma_wait3A_59 = arith.constant 0 : i32
      %dma_wait3A_60 = arith.constant 0 : i32
      %dma_wait3A_61 = tpu.memref_slice %arg2[%dma_wait3A_59, %dma_wait3A_60] : memref<161280x128xf32, #tpu.memory_space<hbm>> -> memref<80x128xf32, #tpu.memory_space<hbm>>
      %dma_wait3A_62 = arith.constant 0 : i32
      %dma_wait3A_63 = arith.constant 0 : i32
      %dma_wait3A_64 = tpu.memref_slice %arg2[%dma_wait3A_62, %dma_wait3A_63] : memref<161280x128xf32, #tpu.memory_space<hbm>> -> memref<80x128xf32, #tpu.memory_space<hbm>>
      tpu.wait_dma2 semaphore(%arg11 : memref<!tpu.dma_semaphore, #tpu.memory_space<semaphore_mem>>) src(%dma_wait3A_64 : memref<80x128xf32, #tpu.memory_space<hbm>>) dst(%arg8 : memref<80x128xf32, #tpu.memory_space<vmem>>)
      %add3A_65 = arith.constant 1 : i32
      %add3A_66 = arith.addi %mul3A_33, %add3A_65 : i32
      "tpu.region"() ({
        %run_scoped3A_67 = tpu.sem_alloc : memref<!tpu.dma_semaphore, #tpu.memory_space<semaphore_mem>>
        %dma_start3A_68 = arith.constant 0 : i32
        %dma_start3A_69 = tpu.memref_slice %arg6[%add3A_66, %dma_start3A_68] : memref<63x80xi32, #tpu.memory_space<vmem>> -> memref<1x80xi32, #tpu.memory_space<vmem>>
        %dma_start3A_70 = tpu.memref_squeeze %dma_start3A_69 : memref<1x80xi32, #tpu.memory_space<vmem>> -> memref<80xi32, #tpu.memory_space<vmem>>
        %dma_start3A_71 = arith.constant 0 : i32
        %dma_start3A_72 = arith.constant 0 : i32
        %dma_start3A_73 = tpu.memref_slice %arg9[%dma_start3A_71, %dma_start3A_72] : memref<10000x128xf32, #tpu.memory_space<vmem_shared>> -> memref<10000x128xf32, #tpu.memory_space<vmem_shared>>
        tpu.enqueue_indirect_dma source(%arg8 : memref<80x128xf32, #tpu.memory_space<vmem>>) target(%dma_start3A_73 : memref<10000x128xf32, #tpu.memory_space<vmem_shared>>) offsets(%dma_start3A_70 : memref<80xi32, #tpu.memory_space<vmem>>) semaphore(%run_scoped3A_67 : memref<!tpu.dma_semaphore, #tpu.memory_space<semaphore_mem>>) {add = true}
        %dma_wait3A_74 = arith.constant 0 : i32
        %dma_wait3A_75 = tpu.memref_slice %arg6[%add3A_66, %dma_wait3A_74] : memref<63x80xi32, #tpu.memory_space<vmem>> -> memref<1x80xi32, #tpu.memory_space<vmem>>
        %dma_wait3A_76 = tpu.memref_squeeze %dma_wait3A_75 : memref<1x80xi32, #tpu.memory_space<vmem>> -> memref<80xi32, #tpu.memory_space<vmem>>
        %dma_wait3A_77 = arith.constant 0 : i32
        %dma_wait3A_78 = arith.constant 0 : i32
        %dma_wait3A_79 = tpu.memref_slice %arg9[%dma_wait3A_77, %dma_wait3A_78] : memref<10000x128xf32, #tpu.memory_space<vmem_shared>> -> memref<10000x128xf32, #tpu.memory_space<vmem_shared>>
        tpu.wait_indirect_dma semaphore(%run_scoped3A_67 : memref<!tpu.dma_semaphore, #tpu.memory_space<semaphore_mem>>) src(%arg8 : memref<80x128xf32, #tpu.memory_space<vmem>>) dst(%dma_wait3A_79 : memref<10000x128xf32, #tpu.memory_space<vmem_shared>>)
        tpu.yield
      }) : () -> ()
    }
    %scan3A_15 = arith.constant 31 : i32
    %dma_wait3A = arith.constant 0 : i32
    %dma_wait3A_16 = arith.constant 0 : i32
    %dma_wait3A_17 = tpu.memref_slice %arg2[%dma_wait3A, %dma_wait3A_16] : memref<161280x128xf32, #tpu.memory_space<hbm>> -> memref<80x128xf32, #tpu.memory_space<hbm>>
    %dma_wait3A_18 = arith.constant 0 : i32
    %dma_wait3A_19 = arith.constant 0 : i32
    %dma_wait3A_20 = tpu.memref_slice %arg2[%dma_wait3A_18, %dma_wait3A_19] : memref<161280x128xf32, #tpu.memory_space<hbm>> -> memref<80x128xf32, #tpu.memory_space<hbm>>
    tpu.wait_dma2 semaphore(%arg10 : memref<!tpu.dma_semaphore, #tpu.memory_space<semaphore_mem>>) src(%dma_wait3A_20 : memref<80x128xf32, #tpu.memory_space<hbm>>) dst(%arg7 : memref<80x128xf32, #tpu.memory_space<vmem>>)
    %run_scoped3A = arith.constant 62 : i32
    "tpu.region"() ({
      %run_scoped3A_27 = tpu.sem_alloc : memref<!tpu.dma_semaphore, #tpu.memory_space<semaphore_mem>>
      %dma_start3A_28 = arith.constant 0 : i32
      %dma_start3A_29 = tpu.memref_slice %arg6[%run_scoped3A, %dma_start3A_28] : memref<63x80xi32, #tpu.memory_space<vmem>> -> memref<1x80xi32, #tpu.memory_space<vmem>>
      %dma_start3A_30 = tpu.memref_squeeze %dma_start3A_29 : memref<1x80xi32, #tpu.memory_space<vmem>> -> memref<80xi32, #tpu.memory_space<vmem>>
      %dma_start3A_31 = arith.constant 0 : i32
      %dma_start3A_32 = arith.constant 0 : i32
      %dma_start3A_33 = tpu.memref_slice %arg9[%dma_start3A_31, %dma_start3A_32] : memref<10000x128xf32, #tpu.memory_space<vmem_shared>> -> memref<10000x128xf32, #tpu.memory_space<vmem_shared>>
      tpu.enqueue_indirect_dma source(%arg7 : memref<80x128xf32, #tpu.memory_space<vmem>>) target(%dma_start3A_33 : memref<10000x128xf32, #tpu.memory_space<vmem_shared>>) offsets(%dma_start3A_30 : memref<80xi32, #tpu.memory_space<vmem>>) semaphore(%run_scoped3A_27 : memref<!tpu.dma_semaphore, #tpu.memory_space<semaphore_mem>>) {add = true}
      %dma_wait3A_34 = arith.constant 0 : i32
      %dma_wait3A_35 = tpu.memref_slice %arg6[%run_scoped3A, %dma_wait3A_34] : memref<63x80xi32, #tpu.memory_space<vmem>> -> memref<1x80xi32, #tpu.memory_space<vmem>>
      %dma_wait3A_36 = tpu.memref_squeeze %dma_wait3A_35 : memref<1x80xi32, #tpu.memory_space<vmem>> -> memref<80xi32, #tpu.memory_space<vmem>>
      %dma_wait3A_37 = arith.constant 0 : i32
      %dma_wait3A_38 = arith.constant 0 : i32
      %dma_wait3A_39 = tpu.memref_slice %arg9[%dma_wait3A_37, %dma_wait3A_38] : memref<10000x128xf32, #tpu.memory_space<vmem_shared>> -> memref<10000x128xf32, #tpu.memory_space<vmem_shared>>
      tpu.wait_indirect_dma semaphore(%run_scoped3A_27 : memref<!tpu.dma_semaphore, #tpu.memory_space<semaphore_mem>>) src(%arg7 : memref<80x128xf32, #tpu.memory_space<vmem>>) dst(%dma_wait3A_39 : memref<10000x128xf32, #tpu.memory_space<vmem_shared>>)
      tpu.yield
    }) : () -> ()
    %barrier3A_21 = arith.constant 0 : index
    tpu.barrier barrier_id(%barrier3A_21)
    %eq3A_22 = arith.constant 0 : i32
    %eq3A_23 = arith.cmpi eq, %arg1, %eq3A_22 : i32
    %convert_element_type3A_24 = arith.extui %eq3A_23 : i1 to i32
    %cond3A_25 = arith.constant 0 : i32
    %cond3A_26 = arith.cmpi ne, %convert_element_type3A_24, %cond3A_25 : i32
    scf.if %cond3A_26 {
      "tpu.region"() ({
        %run_scoped3A_27 = tpu.sem_alloc : memref<!tpu.dma_semaphore, #tpu.memory_space<semaphore_mem>>
        %dma_start3A_28 = arith.constant 0 : i32
        %dma_start3A_29 = arith.constant 0 : i32
        %dma_start3A_30 = tpu.memref_slice %arg5[%arg0, %dma_start3A_28, %dma_start3A_29] : memref<2x10000x128xf32, #tpu.memory_space<hbm>> -> memref<1x10000x128xf32, #tpu.memory_space<hbm>>
        %dma_start3A_31 = tpu.memref_squeeze %dma_start3A_30 : memref<1x10000x128xf32, #tpu.memory_space<hbm>> -> memref<10000x128xf32, #tpu.memory_space<hbm>>
        tpu.enqueue_dma source(%arg9 : memref<10000x128xf32, #tpu.memory_space<vmem_shared>>) target(%dma_start3A_31 : memref<10000x128xf32, #tpu.memory_space<hbm>>) target_semaphore(%run_scoped3A_27 : memref<!tpu.dma_semaphore, #tpu.memory_space<semaphore_mem>>)
        %dma_wait3A_32 = arith.constant 0 : i32
        %dma_wait3A_33 = arith.constant 0 : i32
        %dma_wait3A_34 = tpu.memref_slice %arg5[%arg0, %dma_wait3A_32, %dma_wait3A_33] : memref<2x10000x128xf32, #tpu.memory_space<hbm>> -> memref<1x10000x128xf32, #tpu.memory_space<hbm>>
        %dma_wait3A_35 = tpu.memref_squeeze %dma_wait3A_34 : memref<1x10000x128xf32, #tpu.memory_space<hbm>> -> memref<10000x128xf32, #tpu.memory_space<hbm>>
        tpu.wait_dma2 semaphore(%run_scoped3A_27 : memref<!tpu.dma_semaphore, #tpu.memory_space<semaphore_mem>>) src(%arg9 : memref<10000x128xf32, #tpu.memory_space<vmem_shared>>) dst(%dma_wait3A_35 : memref<10000x128xf32, #tpu.memory_space<hbm>>)
        tpu.yield
      }) : () -> ()
    } else {
    }
    return
  }
}

module attributes {stable_mosaic.version = 14 : i64} {
  func.func @body(%arg0: memref<10000x128xf32, #tpu.memory_space<vmem>>, %arg1: memref<128x128xf32, #tpu.memory_space<vmem>>, %arg2: memref<1x128xf32, #tpu.memory_space<vmem>>, %arg3: memref<128x128xf32, #tpu.memory_space<vmem>>, %arg4: memref<1x128xf32, #tpu.memory_space<vmem>>, %arg5: memref<10000x128xf32, #tpu.memory_space<vmem>>, %arg6: memref<10000x128xf32, #tpu.memory_space<vmem>>) attributes {dimension_semantics = [], scalar_prefetch = 0 : i64, scratch_operands = 0 : i64, tpu.core_type = #tpu.core_type<tc>} {
    %get3A = arith.constant 0 : index
    %get3A_0 = arith.constant 0 : index
    %get3A_1 = vector.load %arg0[%get3A, %get3A_0] : memref<10000x128xf32, #tpu.memory_space<vmem>>, vector<10000x128xf32>
    %get3A_2 = arith.constant 0 : index
    %get3A_3 = arith.constant 0 : index
    %get3A_4 = vector.load %arg1[%get3A_2, %get3A_3] : memref<128x128xf32, #tpu.memory_space<vmem>>, vector<128x128xf32>
    %dot_general3A = arith.constant dense<0.000000e+00> : vector<10000x128xf32>
    %dot_general3A_5 = tpu.matmul %get3A_1, %get3A_4, %dot_general3A {dimension_numbers = #tpu.dot_dimension_numbers<[1], [0], [0], [1], [0, 0, 1, 1], [], []>, transpose_lhs_hint = false} : vector<10000x128xf32>, vector<128x128xf32>, vector<10000x128xf32> -> vector<10000x128xf32>
    %get3A_6 = arith.constant 0 : index
    %get3A_7 = arith.constant 0 : index
    %get3A_8 = vector.load %arg2[%get3A_6, %get3A_7] : memref<1x128xf32, #tpu.memory_space<vmem>>, vector<1x128xf32>
    %add3A = vector.broadcast %get3A_8 : vector<1x128xf32> to vector<10000x128xf32>
    %add3A_9 = arith.addf %dot_general3A_5, %add3A : vector<10000x128xf32>
    %swap3A = arith.constant 0 : index
    %swap3A_10 = arith.constant 0 : index
    %swap3A_11 = vector.load %arg5[%swap3A, %swap3A_10] : memref<10000x128xf32, #tpu.memory_space<vmem>>, vector<10000x128xf32>
    tpu.vector_store %arg5[%swap3A, %swap3A_10], %add3A_9 {strides = array<i32>} : memref<10000x128xf32, #tpu.memory_space<vmem>>, vector<10000x128xf32>,
    %get3A_12 = arith.constant 0 : index
    %get3A_13 = arith.constant 0 : index
    %get3A_14 = vector.load %arg3[%get3A_12, %get3A_13] : memref<128x128xf32, #tpu.memory_space<vmem>>, vector<128x128xf32>
    %dot_general3A_15 = arith.constant dense<0.000000e+00> : vector<10000x128xf32>
    %dot_general3A_16 = tpu.matmul %get3A_1, %get3A_14, %dot_general3A_15 {dimension_numbers = #tpu.dot_dimension_numbers<[1], [0], [0], [1], [0, 0, 1, 1], [], []>, transpose_lhs_hint = false} : vector<10000x128xf32>, vector<128x128xf32>, vector<10000x128xf32> -> vector<10000x128xf32>
    %get3A_17 = arith.constant 0 : index
    %get3A_18 = arith.constant 0 : index
    %get3A_19 = vector.load %arg4[%get3A_17, %get3A_18] : memref<1x128xf32, #tpu.memory_space<vmem>>, vector<1x128xf32>
    %add3A_20 = vector.broadcast %get3A_19 : vector<1x128xf32> to vector<10000x128xf32>
    %add3A_21 = arith.addf %dot_general3A_16, %add3A_20 : vector<10000x128xf32>
    %swap3A_22 = arith.constant 0 : index
    %swap3A_23 = arith.constant 0 : index
    %swap3A_24 = vector.load %arg6[%swap3A_22, %swap3A_23] : memref<10000x128xf32, #tpu.memory_space<vmem>>, vector<10000x128xf32>
    tpu.vector_store %arg6[%swap3A_22, %swap3A_23], %add3A_21 {strides = array<i32>} : memref<10000x128xf32, #tpu.memory_space<vmem>>, vector<10000x128xf32>,
    return
  }
}

module attributes {stable_mosaic.version = 14 : i64} {
  func.func @body(%arg0: i32, %arg1: memref<2560x128xf32, #tpu.memory_space<vmem>>, %arg2: memref<2560x128xf32, #tpu.memory_space<vmem>>, %arg3: memref<128x128xf32, #tpu.memory_space<vmem>>, %arg4: memref<128x128xf32, #tpu.memory_space<vmem>>, %arg5: memref<1x128xf32, #tpu.memory_space<vmem>>, %arg6: memref<2560x128xf32, #tpu.memory_space<vmem>>) attributes {dimension_semantics = [#tpu.dimension_semantics<arbitrary>], iteration_bounds = array<i64: 63>, scalar_prefetch = 0 : i64, scratch_operands = 0 : i64, tpu.core_type = #tpu.core_type<tc>, window_params = [{transform_indices = @transform_0, window_bounds = array<i64: 2560, 128>}, {transform_indices = @transform_1, window_bounds = array<i64: 2560, 128>}, {pipeline_mode = #tpu.pipeline_mode<synchronous>, transform_indices = @transform_2, window_bounds = array<i64: 128, 128>}, {pipeline_mode = #tpu.pipeline_mode<synchronous>, transform_indices = @transform_3, window_bounds = array<i64: 128, 128>}, {pipeline_mode = #tpu.pipeline_mode<synchronous>, transform_indices = @transform_4, window_bounds = array<i64: 1, 128>}, {transform_indices = @transform_5, window_bounds = array<i64: 2560, 128>}]} {
    %get3A = arith.constant 0 : index
    %get3A_0 = arith.constant 0 : index
    %get3A_1 = vector.load %arg1[%get3A, %get3A_0] : memref<2560x128xf32, #tpu.memory_space<vmem>>, vector<2560x128xf32>
    %get3A_2 = arith.constant 0 : index
    %get3A_3 = arith.constant 0 : index
    %get3A_4 = vector.load %arg3[%get3A_2, %get3A_3] : memref<128x128xf32, #tpu.memory_space<vmem>>, vector<128x128xf32>
    %dot_general3A = arith.constant dense<0.000000e+00> : vector<2560x128xf32>
    %dot_general3A_5 = tpu.matmul %get3A_1, %get3A_4, %dot_general3A {dimension_numbers = #tpu.dot_dimension_numbers<[1], [0], [0], [1], [0, 0, 1, 1], [], []>, transpose_lhs_hint = false} : vector<2560x128xf32>, vector<128x128xf32>, vector<2560x128xf32> -> vector<2560x128xf32>
    %get3A_6 = arith.constant 0 : index
    %get3A_7 = arith.constant 0 : index
    %get3A_8 = vector.load %arg2[%get3A_6, %get3A_7] : memref<2560x128xf32, #tpu.memory_space<vmem>>, vector<2560x128xf32>
    %add3A = arith.addf %dot_general3A_5, %get3A_8 : vector<2560x128xf32>
    %max3A = arith.constant 0.000000e+00 : f32
    %max3A_9 = vector.broadcast %max3A : f32 to vector<2560x128xf32>
    %max3A_10 = arith.maximumf %add3A, %max3A_9 : vector<2560x128xf32>
    %get3A_11 = arith.constant 0 : index
    %get3A_12 = arith.constant 0 : index
    %get3A_13 = vector.load %arg4[%get3A_11, %get3A_12] : memref<128x128xf32, #tpu.memory_space<vmem>>, vector<128x128xf32>
    %dot_general3A_14 = arith.constant dense<0.000000e+00> : vector<2560x128xf32>
    %dot_general3A_15 = tpu.matmul %max3A_10, %get3A_13, %dot_general3A_14 {dimension_numbers = #tpu.dot_dimension_numbers<[1], [0], [0], [1], [0, 0, 1, 1], [], []>, transpose_lhs_hint = false} : vector<2560x128xf32>, vector<128x128xf32>, vector<2560x128xf32> -> vector<2560x128xf32>
    %get3A_16 = arith.constant 0 : index
    %get3A_17 = arith.constant 0 : index
    %get3A_18 = vector.load %arg5[%get3A_16, %get3A_17] : memref<1x128xf32, #tpu.memory_space<vmem>>, vector<1x128xf32>
    %add3A_19 = vector.broadcast %get3A_18 : vector<1x128xf32> to vector<2560x128xf32>
    %add3A_20 = arith.addf %dot_general3A_15, %add3A_19 : vector<2560x128xf32>
    %max3A_21 = arith.constant 0.000000e+00 : f32
    %max3A_22 = vector.broadcast %max3A_21 : f32 to vector<2560x128xf32>
    %max3A_23 = arith.maximumf %add3A_20, %max3A_22 : vector<2560x128xf32>
    %swap3A = arith.constant 0 : index
    %swap3A_24 = arith.constant 0 : index
    %swap3A_25 = vector.load %arg6[%swap3A, %swap3A_24] : memref<2560x128xf32, #tpu.memory_space<vmem>>, vector<2560x128xf32>
    tpu.vector_store %arg6[%swap3A, %swap3A_24], %max3A_23 {strides = array<i32>} : memref<2560x128xf32, #tpu.memory_space<vmem>>, vector<2560x128xf32>,
    return
  }
  func.func @transform_0(%arg0: i32) -> (i32, i32) {
    %add3A = arith.constant 0 : i32
    %add3A_0 = arith.addi %arg0, %add3A : i32
    %c0_i32 = arith.constant 0 : i32
    %c0_i32_1 = arith.constant 0 : i32
    return %add3A_0, %c0_i32 : i32, i32
  }
  func.func @transform_1(%arg0: i32) -> (i32, i32) {
    %c0_i32 = arith.constant 0 : i32
    %c0_i32_0 = arith.constant 0 : i32
    return %arg0, %c0_i32 : i32, i32
  }
  func.func @transform_2(%arg0: i32) -> (i32, i32) {
    %c0_i32 = arith.constant 0 : i32
    %c0_i32_0 = arith.constant 0 : i32
    %c0_i32_1 = arith.constant 0 : i32
    return %c0_i32, %c0_i32_0 : i32, i32
  }
  func.func @transform_3(%arg0: i32) -> (i32, i32) {
    %c0_i32 = arith.constant 0 : i32
    %c0_i32_0 = arith.constant 0 : i32
    %c0_i32_1 = arith.constant 0 : i32
    return %c0_i32, %c0_i32_0 : i32, i32
  }
  func.func @transform_4(%arg0: i32) -> (i32, i32) {
    %c0_i32 = arith.constant 0 : i32
    %c0_i32_0 = arith.constant 0 : i32
    %c0_i32_1 = arith.constant 0 : i32
    return %c0_i32, %c0_i32_0 : i32, i32
  }
  func.func @transform_5(%arg0: i32) -> (i32, i32) {
    %c0_i32 = arith.constant 0 : i32
    %c0_i32_0 = arith.constant 0 : i32
    return %arg0, %c0_i32 : i32, i32
  }
}

module attributes {stable_mosaic.version = 14 : i64} {
  func.func @body(%arg0: i32, %arg1: memref<2560x128xf32, #tpu.memory_space<vmem>>, %arg2: memref<2560x128xf32, #tpu.memory_space<vmem>>, %arg3: memref<128x128xf32, #tpu.memory_space<vmem>>, %arg4: memref<128x128xf32, #tpu.memory_space<vmem>>, %arg5: memref<1x128xf32, #tpu.memory_space<vmem>>, %arg6: memref<2560x128xf32, #tpu.memory_space<vmem>>) attributes {dimension_semantics = [#tpu.dimension_semantics<arbitrary>], iteration_bounds = array<i64: 62>, scalar_prefetch = 0 : i64, scratch_operands = 0 : i64, tpu.core_type = #tpu.core_type<tc>, window_params = [{transform_indices = @transform_0, window_bounds = array<i64: 2560, 128>}, {transform_indices = @transform_1, window_bounds = array<i64: 2560, 128>}, {pipeline_mode = #tpu.pipeline_mode<synchronous>, transform_indices = @transform_2, window_bounds = array<i64: 128, 128>}, {pipeline_mode = #tpu.pipeline_mode<synchronous>, transform_indices = @transform_3, window_bounds = array<i64: 128, 128>}, {pipeline_mode = #tpu.pipeline_mode<synchronous>, transform_indices = @transform_4, window_bounds = array<i64: 1, 128>}, {transform_indices = @transform_5, window_bounds = array<i64: 2560, 128>}]} {
    %get3A = arith.constant 0 : index
    %get3A_0 = arith.constant 0 : index
    %get3A_1 = vector.load %arg1[%get3A, %get3A_0] : memref<2560x128xf32, #tpu.memory_space<vmem>>, vector<2560x128xf32>
    %get3A_2 = arith.constant 0 : index
    %get3A_3 = arith.constant 0 : index
    %get3A_4 = vector.load %arg3[%get3A_2, %get3A_3] : memref<128x128xf32, #tpu.memory_space<vmem>>, vector<128x128xf32>
    %dot_general3A = arith.constant dense<0.000000e+00> : vector<2560x128xf32>
    %dot_general3A_5 = tpu.matmul %get3A_1, %get3A_4, %dot_general3A {dimension_numbers = #tpu.dot_dimension_numbers<[1], [0], [0], [1], [0, 0, 1, 1], [], []>, transpose_lhs_hint = false} : vector<2560x128xf32>, vector<128x128xf32>, vector<2560x128xf32> -> vector<2560x128xf32>
    %get3A_6 = arith.constant 0 : index
    %get3A_7 = arith.constant 0 : index
    %get3A_8 = vector.load %arg2[%get3A_6, %get3A_7] : memref<2560x128xf32, #tpu.memory_space<vmem>>, vector<2560x128xf32>
    %add3A = arith.addf %dot_general3A_5, %get3A_8 : vector<2560x128xf32>
    %max3A = arith.constant 0.000000e+00 : f32
    %max3A_9 = vector.broadcast %max3A : f32 to vector<2560x128xf32>
    %max3A_10 = arith.maximumf %add3A, %max3A_9 : vector<2560x128xf32>
    %get3A_11 = arith.constant 0 : index
    %get3A_12 = arith.constant 0 : index
    %get3A_13 = vector.load %arg4[%get3A_11, %get3A_12] : memref<128x128xf32, #tpu.memory_space<vmem>>, vector<128x128xf32>
    %dot_general3A_14 = arith.constant dense<0.000000e+00> : vector<2560x128xf32>
    %dot_general3A_15 = tpu.matmul %max3A_10, %get3A_13, %dot_general3A_14 {dimension_numbers = #tpu.dot_dimension_numbers<[1], [0], [0], [1], [0, 0, 1, 1], [], []>, transpose_lhs_hint = false} : vector<2560x128xf32>, vector<128x128xf32>, vector<2560x128xf32> -> vector<2560x128xf32>
    %get3A_16 = arith.constant 0 : index
    %get3A_17 = arith.constant 0 : index
    %get3A_18 = vector.load %arg5[%get3A_16, %get3A_17] : memref<1x128xf32, #tpu.memory_space<vmem>>, vector<1x128xf32>
    %add3A_19 = vector.broadcast %get3A_18 : vector<1x128xf32> to vector<2560x128xf32>
    %add3A_20 = arith.addf %dot_general3A_15, %add3A_19 : vector<2560x128xf32>
    %max3A_21 = arith.constant 0.000000e+00 : f32
    %max3A_22 = vector.broadcast %max3A_21 : f32 to vector<2560x128xf32>
    %max3A_23 = arith.maximumf %add3A_20, %max3A_22 : vector<2560x128xf32>
    %swap3A = arith.constant 0 : index
    %swap3A_24 = arith.constant 0 : index
    %swap3A_25 = vector.load %arg6[%swap3A, %swap3A_24] : memref<2560x128xf32, #tpu.memory_space<vmem>>, vector<2560x128xf32>
    tpu.vector_store %arg6[%swap3A, %swap3A_24], %max3A_23 {strides = array<i32>} : memref<2560x128xf32, #tpu.memory_space<vmem>>, vector<2560x128xf32>,
    return
  }
  func.func @transform_0(%arg0: i32) -> (i32, i32) {
    %add3A = arith.constant 63 : i32
    %add3A_0 = arith.addi %arg0, %add3A : i32
    %c0_i32 = arith.constant 0 : i32
    %c0_i32_1 = arith.constant 0 : i32
    return %add3A_0, %c0_i32 : i32, i32
  }
  func.func @transform_1(%arg0: i32) -> (i32, i32) {
    %c0_i32 = arith.constant 0 : i32
    %c0_i32_0 = arith.constant 0 : i32
    return %arg0, %c0_i32 : i32, i32
  }
  func.func @transform_2(%arg0: i32) -> (i32, i32) {
    %c0_i32 = arith.constant 0 : i32
    %c0_i32_0 = arith.constant 0 : i32
    %c0_i32_1 = arith.constant 0 : i32
    return %c0_i32, %c0_i32_0 : i32, i32
  }
  func.func @transform_3(%arg0: i32) -> (i32, i32) {
    %c0_i32 = arith.constant 0 : i32
    %c0_i32_0 = arith.constant 0 : i32
    %c0_i32_1 = arith.constant 0 : i32
    return %c0_i32, %c0_i32_0 : i32, i32
  }
  func.func @transform_4(%arg0: i32) -> (i32, i32) {
    %c0_i32 = arith.constant 0 : i32
    %c0_i32_0 = arith.constant 0 : i32
    %c0_i32_1 = arith.constant 0 : i32
    return %c0_i32, %c0_i32_0 : i32, i32
  }
  func.func @transform_5(%arg0: i32) -> (i32, i32) {
    %c0_i32 = arith.constant 0 : i32
    %c0_i32_0 = arith.constant 0 : i32
    return %arg0, %c0_i32 : i32, i32
  }
}

module attributes {stable_mosaic.version = 14 : i64} {
  func.func @body(%arg0: memref<10000x128xf32, #tpu.memory_space<vmem>>, %arg1: memref<2x10000x128xf32, #tpu.memory_space<vmem>>, %arg2: memref<2x10000x128xf32, #tpu.memory_space<vmem>>, %arg3: memref<10000x32xf32, #tpu.memory_space<vmem>>, %arg4: memref<128x128xf32, #tpu.memory_space<vmem>>, %arg5: memref<128x128xf32, #tpu.memory_space<vmem>>, %arg6: memref<1x128xf32, #tpu.memory_space<vmem>>, %arg7: memref<1x128xf32, #tpu.memory_space<vmem>>, %arg8: memref<1x1xf32, #tpu.memory_space<vmem>>, %arg9: memref<10000x128xf32, #tpu.memory_space<vmem>>, %arg10: memref<10000x1xf32, #tpu.memory_space<vmem>>) attributes {dimension_semantics = [], scalar_prefetch = 0 : i64, scratch_operands = 0 : i64, tpu.core_type = #tpu.core_type<tc>} {
    %get3A = arith.constant 0 : index
    %get3A_0 = arith.constant 0 : index
    %get3A_1 = arith.constant 0 : index
    %get3A_2 = vector.load %arg1[%get3A, %get3A_0, %get3A_1] : memref<2x10000x128xf32, #tpu.memory_space<vmem>>, vector<1x10000x128xf32>
    %get3A_3 = vector.shape_cast %get3A_2 : vector<1x10000x128xf32> to vector<10000x128xf32>
    %get3A_4 = arith.constant 1 : index
    %get3A_5 = arith.constant 0 : index
    %get3A_6 = arith.constant 0 : index
    %get3A_7 = vector.load %arg1[%get3A_4, %get3A_5, %get3A_6] : memref<2x10000x128xf32, #tpu.memory_space<vmem>>, vector<1x10000x128xf32>
    %get3A_8 = vector.shape_cast %get3A_7 : vector<1x10000x128xf32> to vector<10000x128xf32>
    %add3A = arith.addf %get3A_3, %get3A_8 : vector<10000x128xf32>
    %get3A_9 = arith.constant 0 : index
    %get3A_10 = arith.constant 0 : index
    %get3A_11 = arith.constant 0 : index
    %get3A_12 = vector.load %arg2[%get3A_9, %get3A_10, %get3A_11] : memref<2x10000x128xf32, #tpu.memory_space<vmem>>, vector<1x10000x128xf32>
    %get3A_13 = vector.shape_cast %get3A_12 : vector<1x10000x128xf32> to vector<10000x128xf32>
    %get3A_14 = arith.constant 1 : index
    %get3A_15 = arith.constant 0 : index
    %get3A_16 = arith.constant 0 : index
    %get3A_17 = vector.load %arg2[%get3A_14, %get3A_15, %get3A_16] : memref<2x10000x128xf32, #tpu.memory_space<vmem>>, vector<1x10000x128xf32>
    %get3A_18 = vector.shape_cast %get3A_17 : vector<1x10000x128xf32> to vector<10000x128xf32>
    %add3A_19 = arith.addf %get3A_13, %get3A_18 : vector<10000x128xf32>
    %add3A_20 = arith.addf %add3A, %add3A_19 : vector<10000x128xf32>
    %get3A_21 = arith.constant 0 : index
    %get3A_22 = arith.constant 0 : index
    %get3A_23 = vector.load %arg3[%get3A_21, %get3A_22] : memref<10000x32xf32, #tpu.memory_space<vmem>>, vector<10000x32xf32>
    %reduce_sum3A = arith.constant dense<0.000000e+00> : vector<10000xf32>
    %reduce_sum3A_24 = vector.multi_reduction <add>, %get3A_23, %reduce_sum3A [1] : vector<10000x32xf32> to vector<10000xf32>
    %broadcast_in_dim3A = vector.shape_cast %reduce_sum3A_24 : vector<10000xf32> to vector<10000x1xf32>
    %gt3A = arith.constant 0.000000e+00 : f32
    %gt3A_25 = vector.broadcast %gt3A : f32 to vector<10000x1xf32>
    %gt3A_26 = arith.cmpf ogt, %broadcast_in_dim3A, %gt3A_25 : vector<10000x1xf32>
    %max3A = arith.constant 1.000000e+00 : f32
    %max3A_27 = vector.broadcast %max3A : f32 to vector<10000x1xf32>
    %max3A_28 = arith.maximumf %broadcast_in_dim3A, %max3A_27 : vector<10000x1xf32>
    %div3A = vector.broadcast %max3A_28 : vector<10000x1xf32> to vector<10000x128xf32>
    %div3A_29 = arith.divf %add3A_20, %div3A : vector<10000x128xf32>
    %jit3A = arith.constant 0.000000e+00 : f32
    %broadcast_in_dim3A_30 = vector.shape_cast %gt3A_26 : vector<10000x1xi1> to vector<10000x1xi1>
    %broadcast_in_dim3A_31 = vector.broadcast %broadcast_in_dim3A_30 : vector<10000x1xi1> to vector<10000x128xi1>
    %broadcast_in_dim3A_32 = vector.broadcast %jit3A : f32 to vector<10000x128xf32>
    %select_n3A = arith.select %broadcast_in_dim3A_31, %div3A_29, %broadcast_in_dim3A_32 : vector<10000x128xi1>, vector<10000x128xf32>
    %get3A_33 = arith.constant 0 : index
    %get3A_34 = arith.constant 0 : index
    %get3A_35 = vector.load %arg0[%get3A_33, %get3A_34] : memref<10000x128xf32, #tpu.memory_space<vmem>>, vector<10000x128xf32>
    %get3A_36 = arith.constant 0 : index
    %get3A_37 = arith.constant 0 : index
    %get3A_38 = vector.load %arg4[%get3A_36, %get3A_37] : memref<128x128xf32, #tpu.memory_space<vmem>>, vector<128x128xf32>
    %dot_general3A = arith.constant dense<0.000000e+00> : vector<10000x128xf32>
    %dot_general3A_39 = tpu.matmul %select_n3A, %get3A_38, %dot_general3A {dimension_numbers = #tpu.dot_dimension_numbers<[1], [0], [0], [1], [0, 0, 1, 1], [], []>, transpose_lhs_hint = false} : vector<10000x128xf32>, vector<128x128xf32>, vector<10000x128xf32> -> vector<10000x128xf32>
    %add3A_40 = arith.addf %get3A_35, %dot_general3A_39 : vector<10000x128xf32>
    %max3A_41 = arith.constant 0.000000e+00 : f32
    %max3A_42 = vector.broadcast %max3A_41 : f32 to vector<10000x128xf32>
    %max3A_43 = arith.maximumf %add3A_40, %max3A_42 : vector<10000x128xf32>
    %get3A_44 = arith.constant 0 : index
    %get3A_45 = arith.constant 0 : index
    %get3A_46 = vector.load %arg5[%get3A_44, %get3A_45] : memref<128x128xf32, #tpu.memory_space<vmem>>, vector<128x128xf32>
    %dot_general3A_47 = arith.constant dense<0.000000e+00> : vector<10000x128xf32>
    %dot_general3A_48 = tpu.matmul %max3A_43, %get3A_46, %dot_general3A_47 {dimension_numbers = #tpu.dot_dimension_numbers<[1], [0], [0], [1], [0, 0, 1, 1], [], []>, transpose_lhs_hint = false} : vector<10000x128xf32>, vector<128x128xf32>, vector<10000x128xf32> -> vector<10000x128xf32>
    %get3A_49 = arith.constant 0 : index
    %get3A_50 = arith.constant 0 : index
    %get3A_51 = vector.load %arg6[%get3A_49, %get3A_50] : memref<1x128xf32, #tpu.memory_space<vmem>>, vector<1x128xf32>
    %add3A_52 = vector.broadcast %get3A_51 : vector<1x128xf32> to vector<10000x128xf32>
    %add3A_53 = arith.addf %dot_general3A_48, %add3A_52 : vector<10000x128xf32>
    %max3A_54 = arith.constant 0.000000e+00 : f32
    %max3A_55 = vector.broadcast %max3A_54 : f32 to vector<10000x128xf32>
    %max3A_56 = arith.maximumf %add3A_53, %max3A_55 : vector<10000x128xf32>
    %swap3A = arith.constant 0 : index
    %swap3A_57 = arith.constant 0 : index
    %swap3A_58 = vector.load %arg9[%swap3A, %swap3A_57] : memref<10000x128xf32, #tpu.memory_space<vmem>>, vector<10000x128xf32>
    tpu.vector_store %arg9[%swap3A, %swap3A_57], %max3A_56 {strides = array<i32>} : memref<10000x128xf32, #tpu.memory_space<vmem>>, vector<10000x128xf32>,
    %get3A_59 = arith.constant 0 : index
    %get3A_60 = arith.constant 0 : index
    %get3A_61 = vector.load %arg7[%get3A_59, %get3A_60] : memref<1x128xf32, #tpu.memory_space<vmem>>, vector<1x128xf32>
    %mul3A = vector.broadcast %get3A_61 : vector<1x128xf32> to vector<10000x128xf32>
    %mul3A_62 = arith.mulf %max3A_56, %mul3A : vector<10000x128xf32>
    %reduce_sum3A_63 = arith.constant dense<0.000000e+00> : vector<10000xf32>
    %reduce_sum3A_64 = vector.multi_reduction <add>, %mul3A_62, %reduce_sum3A_63 [1] : vector<10000x128xf32> to vector<10000xf32>
    %broadcast_in_dim3A_65 = vector.shape_cast %reduce_sum3A_64 : vector<10000xf32> to vector<10000x1xf32>
    %get3A_66 = arith.constant 0 : index
    %get3A_67 = arith.constant 0 : index
    %get3A_68 = vector.load %arg8[%get3A_66, %get3A_67] : memref<1x1xf32, #tpu.memory_space<vmem>>, vector<1x1xf32>
    %add3A_69 = vector.broadcast %get3A_68 : vector<1x1xf32> to vector<10000x1xf32>
    %add3A_70 = arith.addf %broadcast_in_dim3A_65, %add3A_69 : vector<10000x1xf32>
    %logistic3A = arith.negf %add3A_70 : vector<10000x1xf32>
    %logistic3A_71 = math.exp %logistic3A : vector<10000x1xf32>
    %logistic3A_72 = arith.constant 1.000000e+00 : f32
    %logistic3A_73 = vector.broadcast %logistic3A_72 : f32 to vector<10000x1xf32>
    %logistic3A_74 = arith.addf %logistic3A_73, %logistic3A_71 : vector<10000x1xf32>
    %logistic3A_75 = arith.divf %logistic3A_73, %logistic3A_74 : vector<10000x1xf32>
    %swap3A_76 = arith.constant 0 : index
    %swap3A_77 = arith.constant 0 : index
    %swap3A_78 = vector.load %arg10[%swap3A_76, %swap3A_77] : memref<10000x1xf32, #tpu.memory_space<vmem>>, vector<10000x1xf32>
    tpu.vector_store %arg10[%swap3A_76, %swap3A_77], %logistic3A_75 {strides = array<i32>} : memref<10000x1xf32, #tpu.memory_space<vmem>>, vector<10000x1xf32>,
    return
  }
}

</mosaic_0001>

<sc_bundles>
// kernel: kernel.10.cloned.1.call-start
scs
__scs_entry_jumppad:
0x0: {  	(pc) =	sbr.rel $0x88, $3  }
0x1: {  	(tag) =	ssettag $0x0;
	lr =	simm.s32 $0x1  }
0x2: {  	[smem:$0x3F8C] =	sst lr;
	_ =	strace $0xD0000000  }
0x3: {  	_ = 	snop  }
0x4: {  	_ = 	snop  }
0x5: {  	_ = 	snop  }
0x6: {  	_ = 	snop  }
0x7: {  	_ = 	snop  }
__scs_overlays_trampoline_lowered:
0x8: {  	[smem:$0x3F9B] =	sst s0  }
0x9: {  	[smem:$0x3F9C] =	sst s1  }
0xa: {  	[smem:$0x3F9D] =	sst s2  }
0xb: {  	[smem:$0x3F9E] =	sst s3  }
0xc: {  	[smem:$0x3F9F] =	sst s4  }
0xd: {  	[smem:$0x3FA0] =	sst s5  }
0xe: {  	[smem:$0x3FA1] =	sst s6  }
0xf: {  	[smem:$0x3FA2] =	sst s7  }
0x10: {  	[smem:$0x3FA3] =	sst s8  }
0x11: {  	[smem:$0x3FA4] =	sst s9;
	s0 =	simm.s32 @!p0 $0x0  }
0x12: {  	s1 =	sld [smem:$0x3F8A];
	s0 =	simm.s32 @p0 $0x1  }
0x13: {  	[smem:$0x3FA5] =	sst s0;
	s0 =	simm.s32 @!p1 $0x0  }
0x14: {  	s2 =	sld [smem:$0x3F89];
	s0 =	simm.s32 @p1 $0x1  }
0x15: {  	[smem:$0x3FA6] =	sst s0;
	s0 =	simm.s32 @!p2 $0x0  }
0x16: {  	s3 =	sld [smem:$0x3FDB];
	s0 =	simm.s32 @p2 $0x1  }
0x17: {  	s4 =	simm.s32 $0x1BF5;
	[smem:$0x3FA8] =	sst s0  }
0x18: {  	s0 =	sld [smem:$0x3F8B];
	_ =	swait.ge [sflag:s4], $0x0  }
0x19: {  	s7 =	sld [smem:$0x3F8C]  }
0x1a: {  	s8 =	sadd.s32 $0xFFFFE003, lr  }
0x1b: {  	s9 =	sadd.s32 $0xFFFFFEF7, lr;
	s5 =	simm.s32 $0xFFFFFFFF;
	p2 =	slt.u32 s8, $0xFFFFF086  }
0x1c: {  	p1 =	slt.u32 s9, $0xF7A;
	s5 =	simm.s32 @!p2 $0x0  }
0x1d: {  	s5 =	simm.s32 @p1 $0x1;
	p0 =	seq.s32 s7, s2  }
0x1e: {  	s7 =	smul.u32 @!p0 $0xF7A, s2;
	p2 =	seq.s32 @!p0 s5, $0x0  }
0x1f: {  	s9 =	smul.u32 $0xF7A, s1;
	s8 =	simm.s32 @!p0 $0x1BF5;
	p2 =	por !p2, p0  }
0x20: {  	[sflag:s8] =	ssyncset.s32 @!p0 $0xFFFFF086;
	s6 =	sadd.s32 @!p0 s3, s7;
	s7 =	simm.s32 @!p0 $0x108  }
0x21: {  	s3 =	sadd.s32 s3, s9;
	s6 =	sadd.s32 @!p0 $0x88, s6;
	s7 =	simm.s32 @p2 $0x1082  }
0x22: {  	[simem:s7], [sflag:s8] =	dma.local @!p0 [hbm:s6], $0xF7A  }
0x23: {  	s9 =	sor.u32 $0xD0000000, s2;
	s6 =	simm.s32 $0x108;
	_ =	swait.ge @!p0 [sflag:s8], $0x0  }
0x24: {  	s3 =	sadd.s32 $0x88, s3;
	s6 =	simm.s32 @!p1 $0x1082;
	[sflag:s4] =	ssyncset.s32 $0xFFFFF086  }
0x25: {  	[simem:s6], [sflag:s4] =	dma.local [hbm:s3], $0xF7A  }
0x26: {  	[smem:$0x3F8C] =	sst s1;
	(tag) =	ssettag s2;
	_ =	strace s9  }
0x27: {  	s1 =	sld [smem:$0x3F9C]  }
0x28: {  	s2 =	sld [smem:$0x3F9D]  }
0x29: {  	s4 =	sld [smem:$0x3F9F]  }
0x2a: {  	p0 =	seq.s32 s5, $0x0;
	s5 =	sld [smem:$0x3FA0]  }
0x2b: {  	s6 =	sld [smem:$0x3FA1]  }
0x2c: {  	s7 =	sld [smem:$0x3FA2]  }
0x2d: {  	s3 =	simm.s32 $0x108;
	s8 =	sld [smem:$0x3FA3]  }
0x2e: {  	s3 =	simm.s32 @!p0 $0x1082;
	s9 =	sld [smem:$0x3FA4]  }
0x2f: {  	lr =	sadd.s32 s0, s3;
	s0 =	sld [smem:$0x3F9B]  }
0x30: {  	s3 =	sld [smem:$0x3F9E]  }
0x31: {  	[smem:$0x3FA7] =	sst s10  }
0x32: {  	s10 =	sld [smem:$0x3FA5];
	_ =	sdelay $0x3  }
0x33: {  	p0 =	seq.s32 s10, $0x1;
	s10 =	sld [smem:$0x3FA7];
	_ =	sdelay $0x3  }
0x34: {  	[smem:$0x3FA7] =	sst s10  }
0x35: {  	s10 =	sld [smem:$0x3FA6];
	_ =	sdelay $0x3  }
0x36: {  	p1 =	seq.s32 s10, $0x1;
	s10 =	sld [smem:$0x3FA7];
	_ =	sdelay $0x3  }
0x37: {  	[smem:$0x3FA7] =	sst s10  }
0x38: {  	s10 =	sld [smem:$0x3FA8]  }
0x39: {  	_ = 	snop;
	(pc) =	sbr.ind lr, $3  }
0x3a: {  	_ = 	snop  }
0x3b: {  	_ = 	snop  }
0x3c: {  	p2 =	seq.s32 s10, $0x1;
	s10 =	sld [smem:$0x3FA7]  }
0x3d: {  	_ =	shalt  }
0x3e: {  	_ =	shalt  }
0x3f: {  	_ =	shalt  }
0x40: {  	_ =	shalt  }
0x41: {  	_ =	shalt  }
0x42: {  	_ =	shalt  }
0x43: {  	_ =	shalt  }
0x44: {  	_ =	shalt  }
0x45: {  	_ =	shalt  }
0x46: {  	_ =	shalt  }
0x47: {  	_ =	shalt  }
0x48: {  	_ =	shalt  }
0x49: {  	_ =	shalt  }
0x4a: {  	_ =	shalt  }
0x4b: {  	_ =	shalt  }
0x4c: {  	_ =	shalt  }
0x4d: {  	_ =	shalt  }
0x4e: {  	_ =	shalt  }
0x4f: {  	_ =	shalt  }
0x50: {  	_ =	shalt  }
0x51: {  	_ =	shalt  }
0x52: {  	_ =	shalt  }
0x53: {  	_ =	shalt  }
0x54: {  	_ =	shalt  }
0x55: {  	_ =	shalt  }
0x56: {  	_ =	shalt  }
0x57: {  	_ =	shalt  }
0x58: {  	_ =	shalt  }
0x59: {  	_ =	shalt  }
0x5a: {  	_ =	shalt  }
0x5b: {  	_ =	shalt  }
0x5c: {  	_ =	shalt  }
0x5d: {  	_ =	shalt  }
0x5e: {  	_ =	shalt  }
0x5f: {  	_ =	shalt  }
0x60: {  	_ =	shalt  }
0x61: {  	_ =	shalt  }
0x62: {  	_ =	shalt  }
0x63: {  	_ =	shalt  }
0x64: {  	_ =	shalt  }
0x65: {  	_ =	shalt  }
0x66: {  	_ =	shalt  }
0x67: {  	_ =	shalt  }
0x68: {  	_ =	shalt  }
0x69: {  	_ =	shalt  }
0x6a: {  	_ =	shalt  }
0x6b: {  	_ =	shalt  }
0x6c: {  	_ =	shalt  }
0x6d: {  	_ =	shalt  }
0x6e: {  	_ =	shalt  }
0x6f: {  	_ =	shalt  }
0x70: {  	_ =	shalt  }
0x71: {  	_ =	shalt  }
0x72: {  	_ =	shalt  }
0x73: {  	_ =	shalt  }
0x74: {  	_ =	shalt  }
0x75: {  	_ =	shalt  }
0x76: {  	_ =	shalt  }
0x77: {  	_ =	shalt  }
0x78: {  	_ =	shalt  }
0x79: {  	_ =	shalt  }
0x7a: {  	_ =	shalt  }
0x7b: {  	_ =	shalt  }
0x7c: {  	_ =	shalt  }
0x7d: {  	_ =	shalt  }
0x7e: {  	_ =	shalt  }
0x7f: {  	_ =	shalt  }
0x80: {  	_ =	shalt  }
0x81: {  	_ =	shalt  }
0x82: {  	_ =	shalt  }
0x83: {  	_ =	shalt  }
0x84: {  	_ =	shalt  }
0x85: {  	_ =	shalt  }
0x86: {  	_ =	shalt  }
0x87: {  	_ =	shalt  }
.Lfunc_end0:
.L_simem_size_0:
called_computation_lowered:
.L_overlay_start_0:
0x88: {  	s2 =	sld [smem:$0x3FD9]  }
0x89: {  	s3 =	sld [smem:$0x3FFE];
	_ =	sdelay $0x1  }
0x8a: {  	s1 =	srdreg.scid  }
0x8b: {  	s0 =	sand.u32 $0x1, s1  }
0x8c: {  	s16 =	sshll.u32 s0, $0xA;
	s2 =	sadd.s32 s3, s2  }
0x8d: {  	s2 =	sadd.s32 s2, s16  }
0x8e: {  	[smem:$0x3FB3] =	sst s2  }
0x8f: {  	_ = 	snop  }
0x90: {  	(tm) =	ssettm $0x1  }
0x91: {  	s17 =	sld [smem:$0x3FFB];
	_ =	sdelay $0x3  }
0x92: {  	_ =	strace s17  }
0x93: {  	s2 =	sld [smem:$0x3FFC];
	_ =	sdelay $0x3  }
0x94: {  	_ =	strace s2  }
0x95: {  	s2 =	sld [smem:$0x3FFD];
	_ =	sdelay $0x3  }
0x96: {  	_ =	strace s2  }
0x97: {  	_ =	strace $0x8FFFFFFF  }
0x98: {  	s18 =	sld [smem:$0x3FDB];
	_ =	sdelay $0x1  }
0x99: {  	s19 =	simm.s32 $_scs_section_size  }
0x9a: {  	s4 =	simm.s32 $_size__tile_overlayer_lowered;
	s5 =	simm.s32 $_tile_overlayer_lowered  }
0x9b: {  	s22 =	simm.s32 $0x1BFF;
	s21 =	sshll.u32 s5, $0x1;
	s2 =	sadd.s32 s19, s18  }
0x9c: {  	s6 =	simm.s32 $0x0;
	s20 =	sshll.u32 s4, $0x1;
	s4 =	sadd.s32 s21, s2  }
0x9d: {  	[timem:s6], [sflag:s22] =	dma.local [hbm:s4], s20  }
0x9e: {  	_ =	swait.ge [sflag:s22], s20  }
0x9f: {  	s3 =	ssub.s32 $0x0, s20;
	[sflag:s22] =	ssyncset.done $0x0  }
0xa0: {  	[sflag:s22] =	ssyncadd.s32 s3;
	_ =	sdelay $0x1  }
0xa1: {  	s23 =	simm.s32 $0x1B8B  }
0xa2: {  	_ =	swait.ge [sflag:s23], $0x1  }
0xa3: {  	[sflag:s23] =	ssyncset.done $0x0  }
0xa4: {  	s25 =	simm.s32 $0x1B8E;
	s24 =	sld [smem:$0x3FFE];
	[sflag:s23] =	ssyncadd.s32 $0xFFFFFFFF  }
0xa5: {  	s26 =	simm.s32 $execute0_lowered;
	[smem:$0x3FD2] =	sst s25  }
0xa6: {  	s4 =	sshll.u32 s26, $0x1;
	_ =	strace $0x80000046;
	[dreg:$0x1] =	wrdreg $0xFFFFFFFF  }
0xa7: {  	s28 =	simm.s32 $_size_execute0_lowered;
	s2 =	sadd.s32 s2, s4;
	[dreg:$0x0] =	wrdreg $0x0  }
0xa8: {  	s4 =	sshll.u32 s28, $0x1;
	[dreg:$0x2] =	wrdreg s2  }
0xa9: {  	[dreg:$0x3] =	wrdreg s4  }
0xaa: {  	[dreg:$0x4] =	wrdreg $0xC0  }
0xab: {  	_ =	task [dreg:s6], $0x5FFFF  }
0xac: {  	[dreg:$0x1] =	wrdreg $0xFFFFFFFF  }
0xad: {  	[dreg:$0x0] =	wrdreg $0x60  }
0xae: {  	[dreg:$0x2] =	wrdreg s24  }
0xaf: {  	[dreg:$0x3] =	wrdreg $0x9  }
0xb0: {  	_ =	task.clear_ibuf [dreg:s6], $0x4FFFF;
	_ =	strace $0x90000046  }
0xb1: {  	s29 =	simm.s32 $0x9;
	_ =	strace $0x80000048  }
0xb2: {  	_ =	swait.ge [sflag:s29], $0x1  }
0xb3: {  	[sflag:s29] =	ssyncadd.s32 $0xFFFFFFFF  }
0xb4: {  	_ =	strace $0x90000048  }
0xb5: {  	_ =	sfence  }
0xb6: {  	s30 =	sld [smem:$0x0];
	_ =	sdelay $0x2  }
0xb7: {  	s31 =	sshll.u32 s1, $0xD;
	s1 =	sshrl.u32 s1, $0x2  }
0xb8: {  	s3 =	sand.u32 $0x4000, s31;
	s1 =	sadd.s32 s1, s30  }
0xb9: {  	s0 =	sor.u32 s3, s0;
	s1 =	sshll.u32 s1, $0x11  }
0xba: {  	s0 =	sor.u32 s1, s0  }
0xbb: {  	s0 =	sadd.s32 $0x8F2B, s0  }
0xbc: {  	[sflag:s0] =	ssyncadd.remote.s32 $0x1  }
0xbd: {  	_ =	sfence.sel $0xFFFF  }
0xbe: {  	[dreg:$0x0] =	wrdreg $0xFFFFFFFF;
	(pc) =	sbr.abs _section_cstart, $3  }
0xbf: {  	[dreg:$0x1] =	wrdreg $0xFFFFFFFF  }
0xc0: {  	_ =	task.clear_ibuf [dreg:s6], $0x2FFFF;
	_ =	strace $0x9FFFFFFF  }
0xc1: {  	(tm) =	ssettm $0x7FFFFFFF  }
tec
execute0_lowered:
.L_overlay_start_1:
0x0: {  	(tag) =	ssettag $0x1  }
0x1: {  	s4 =	rddreg [dreg:$0x0]  }
0x2: {  	s0 =	rddreg [dreg:$0x1];
	s2 =	simm.s32 $0x0;
	s3 =	srdreg.scid  }
0x3: {  	s1 =	stileid.u32;
	s13 =	simm.s32 $0x50;
	s14 =	simm.s32 $0x2000  }
0x4: {  	s15 =	simm.s32 $0x4800;
	s16 =	simm.s32 $0x1;
	s17 =	simm.s32 $0x2  }
0x5: {  	s18 =	simm.s32 $0x80;
	s19 =	simm.s32 $0x400;
	s20 =	simm.s32 $0x0  }
0x6: {  	[smem:$0x7FF] =	sst s2;
	s7 =	sand.u32 $0x1, s3;
	s25 =	sshll.u32 s1, $0x1  }
0x7: {  	s3 =	sadd.s32 $0x26C00, s4;
	s8 =	sshrl.u32 s1, $0x2;
	s29 =	smul.u32 $0x27600, s1  }
0x8: {  	s11 =	sadd.s32 $0x4DE00, s4;
	_ =	strace $0x80000047;
	s8 =	smul.u32 $0x13C00, s8  }
0x9: {  	s5 =	sor.u32 s7, s25;
	s26 =	ssub.s32 $0x2, s7;
	s30 =	smul.u32 $0x13B00, s7  }
0xa: {  	s6 =	sshll.u32 s5, $0xA;
	s9 =	sshll.u32 s5, $0xB;
	s10 =	sshll.u32 s5, $0x7  }
0xb: {  	s5 =	smul.u32 $0x9D800, s5;
	s12 =	sshrl.u32 s26, $0x1;
	s31 =	sadd.s32 s29, s11  }
0xc: {  	s6 =	sadd.s32 s6, s4;
	s9 =	sadd.s32 s9, s4;
	s10 =	sand.u32 $0x380, s10  }
0xd: {  	s8 =	sor.u32 s8, s10;
	s10 =	ssub.s32 s26, s12;
	s5 =	sshrl.u32 s5, $0x3  }
0xe: {  	s12 =	simm.s32 $0xB000;
	s8 =	sshrl.u32 s8, $0x3;
	s28 =	sadd.s32 s11, s5  }
0xf: {  	s5 =	sadd.s32 $0x16C00, s9;
	s9 =	sadd.s32 s30, s31;
	s11 =	simm.s32 $0x7000  }
0x10: {  	s8 =	sadd.s32 s8, s4;
	s4 =	sadd.s32 $0xEC00, s6;
	s6 =	sadd.s32 $0x13600, s28  }
0x11: {  	v0 =	vimm.f32 $0.0e+00;
	v1 =	vimm.f32 $1.000000000e+00;
	s7 =	sadd.s32 $0x2C3E00, s8;
	s8 =	smax.u32 s10, $0x1;
	s10 =	simm.s32 $0x3  }
.LBB2_1:
0x12: {  	[tilespmem:s2], [sflag:$0x3] =	stream.linear.gather [hbm4b:s4+s2], $0x1F80, $0x38;
	[tilespmem:$0xD780] =	vst v63  }
0x13: {  	_ =	swait.ge [sflag:s10], $0x1F80  }
0x14: {  	[sflag:s10] =	ssyncset.done $0x0  }
0x15: {  	[sflag:s10] =	ssyncadd.s32 $0xFFFFE080  }
0x16: {  	[tilespmem:s11], [sflag:$0x3] =	stream.linear.gather [hbm4b:s5+s2], $0x3E80, $0x38;
	[tilespmem:$0xD780] =	vst v63  }
0x17: {  	_ =	swait.ge [sflag:s10], $0x3E80  }
0x18: {  	[sflag:s10] =	ssyncset.done $0x0  }
0x19: {  	s21 =	simm.s32 $0x0;
	[sflag:s10] =	ssyncadd.s32 $0xFFFFC180  }
.LBB2_2:
0x1a: {  	p0 =	sne.s32 s21, $0x9C00  }
.Ltmp0:
0x1b: {  	_ = 	snop;
	(pc) =	sbr.rel @p0 .LBB2_2-.Ltmp0, $3  }
0x1c: {  	_ =	sdelay $0x1  }
0x1d: {  	s22 =	sshra.s32 s21, $0x2  }
0x1e: {  	s21 =	sadd.s32 $0x40, s21;
	[tilespmem:s22+$0xB000] =	vst v0  }
0x1f: {  	s21 =	simm.s32 $0x100  }
.LBB2_4:
0x20: {  	s22 =	sshra.s32 s21, $0x2  }
0x21: {  	v2 =	vld [tilespmem:s22+$0x6FC0];
	_ =	sdelay $0x7  }
0x22: {  	[tilespmem:v2+s12+$0x0] =	vst.idx.add.f32.msk $0xffff, v1  }
0x23: {  	v2 =	vld [tilespmem:s22+$0x6FD0];
	_ =	sdelay $0x7  }
0x24: {  	[tilespmem:v2+s12+$0x0] =	vst.idx.add.f32.msk $0xffff, v1  }
0x25: {  	v2 =	vld [tilespmem:s22+$0x6FE0];
	_ =	sdelay $0x7  }
0x26: {  	[tilespmem:v2+s12+$0x0] =	vst.idx.add.f32.msk $0xffff, v1  }
0x27: {  	v2 =	vld [tilespmem:s22+$0x6FF0];
	_ =	sdelay $0x7  }
0x28: {  	[tilespmem:v2+s12+$0x0] =	vst.idx.add.f32.msk $0xffff, v1  }
0x29: {  	v2 =	vld [tilespmem:s22+$0x7000];
	_ =	sdelay $0x2  }
0x2a: {  	p0 =	sne.s32 s21, $0xF900  }
.Ltmp1:
0x2b: {  	_ = 	snop;
	(pc) =	sbr.rel @p0 .LBB2_4-.Ltmp1, $2  }
0x2c: {  	_ =	sdelay $0x2  }
0x2d: {  	s21 =	sadd.s32 $0x200, s21;
	[tilespmem:v2+s12+$0x0] =	vst.idx.add.f32.msk $0xffff, v1  }
0x2e: {  	s21 =	simm.s32 $0x0  }
0x2f: {  	[tilespmem:s14], [sflag:$0x1] =	stream.indirect.gather [hbm4b:s3+s13], $0x80, s21, s13, $0xb8;
	[tilespmem:$0xD780] =	vst v63  }
0x30: {  	s21 =	simm.s32 $0x80  }
0x31: {  	[tilespmem:s15], [sflag:$0x2] =	stream.indirect.gather [hbm4b:s3+s13], $0x80, s21, s13, $0xb8;
	[tilespmem:$0xD780] =	vst v63  }
0x32: {  	_ =	swait.ge [sflag:s16], $0x2800  }
0x33: {  	[sflag:s16] =	ssyncset.done $0x0  }
0x34: {  	s22 =	sadd.s32 $0x0, s9;
	[sflag:s16] =	ssyncadd.s32 $0xFFFFD800  }
0x35: {  	[hbm4b:s22+s2] =	stream.linear.scatter [tilespmem:s14], [sflag:$0x3], $0x2800, $0x38;
	[tilespmem:$0xD780] =	vst v63  }
0x36: {  	_ =	swait.ge [sflag:s10], $0x2800  }
0x37: {  	[sflag:s10] =	ssyncset.done $0x0  }
0x38: {  	s23 =	simm.s32 $0x100;
	[sflag:s10] =	ssyncadd.s32 $0xFFFFD800  }
0x39: {  	[tilespmem:s14], [sflag:$0x1] =	stream.indirect.gather [hbm4b:s3+s13], $0x80, s23, s13, $0xb8;
	[tilespmem:$0xD780] =	vst v63  }
0x3a: {  	_ =	swait.ge [sflag:s17], $0x2800  }
0x3b: {  	[sflag:s17] =	ssyncset.done $0x0  }
0x3c: {  	s22 =	sadd.s32 $0x500, s22;
	[sflag:s17] =	ssyncadd.s32 $0xFFFFD800  }
0x3d: {  	[hbm4b:s22+s2] =	stream.linear.scatter [tilespmem:s15], [sflag:$0x3], $0x2800, $0x38;
	[tilespmem:$0xD780] =	vst v63  }
0x3e: {  	_ =	swait.ge [sflag:s10], $0x2800  }
0x3f: {  	s22 =	simm.s32 $0xA00;
	[sflag:s10] =	ssyncset.done $0x0  }
.LBB2_6:
0x40: {  	p0 =	sne.s32 s22, $0x12C00;
	[sflag:s10] =	ssyncadd.s32 $0xFFFFD800;
	s21 =	sadd.s32 $0x100, s21  }
0x41: {  	[tilespmem:s15], [sflag:$0x2] =	stream.indirect.gather [hbm4b:s3+s13], $0x80, s21, s13, $0xb8;
	[tilespmem:$0xD780] =	vst v63  }
0x42: {  	s23 =	smov.u32 s22;
	s22 =	sadd.s32 $0xA00, s22;
	_ =	swait.ge [sflag:s16], $0x2800  }
0x43: {  	[sflag:s16] =	ssyncset.done $0x0  }
0x44: {  	s23 =	sadd.s32 s23, s9;
	[sflag:s16] =	ssyncadd.s32 $0xFFFFD800  }
0x45: {  	[hbm4b:s23+s2] =	stream.linear.scatter [tilespmem:s14], [sflag:$0x3], $0x2800, $0x38;
	[tilespmem:$0xD780] =	vst v63  }
0x46: {  	_ =	swait.ge [sflag:s10], $0x2800  }
0x47: {  	[sflag:s10] =	ssyncset.done $0x0  }
0x48: {  	s24 =	sadd.s32 $0x80, s21;
	[sflag:s10] =	ssyncadd.s32 $0xFFFFD800  }
0x49: {  	[tilespmem:s14], [sflag:$0x1] =	stream.indirect.gather [hbm4b:s3+s13], $0x80, s24, s13, $0xb8;
	[tilespmem:$0xD780] =	vst v63  }
0x4a: {  	_ =	swait.ge [sflag:s17], $0x2800  }
.Ltmp2:
0x4b: {  	[sflag:s17] =	ssyncset.done $0x0;
	(pc) =	sbr.rel @p0 .LBB2_6-.Ltmp2, $4  }
0x4c: {  	s23 =	sadd.s32 $0x500, s23;
	[sflag:s17] =	ssyncadd.s32 $0xFFFFD800  }
0x4d: {  	[hbm4b:s23+s2] =	stream.linear.scatter [tilespmem:s15], [sflag:$0x3], $0x2800, $0x38;
	[tilespmem:$0xD780] =	vst v63  }
0x4e: {  	_ =	swait.ge [sflag:s10], $0x2800  }
0x4f: {  	[sflag:s10] =	ssyncset.done $0x0  }
0x50: {  	[sflag:s10] =	ssyncadd.s32 $0xFFFFD800  }
0x51: {  	_ =	swait.ge [sflag:s16], $0x2800  }
0x52: {  	[sflag:s16] =	ssyncset.done $0x0  }
0x53: {  	[sflag:s16] =	ssyncadd.s32 $0xFFFFD800  }
0x54: {  	[hbm4b:s6+s2] =	stream.linear.scatter [tilespmem:s14], [sflag:$0x3], $0x2800, $0x38;
	[tilespmem:$0xD780] =	vst v63  }
0x55: {  	s20 =	sadd.s32 $0x1, s20;
	_ =	swait.ge [sflag:s10], $0x2800  }
0x56: {  	p0 =	sne.s32 s20, s8;
	[sflag:s10] =	ssyncset.done $0x0  }
.Ltmp3:
0x57: {  	[sflag:s10] =	ssyncadd.s32 $0xFFFFD800;
	(pc) =	sbr.rel @p0 .LBB2_1-.Ltmp3, $4  }
0x58: {  	[hbm4b:s7+s18] =	stream.strided.scatter [tilespmem:s12], [sflag:$0x3], $0x2780, s19, s18, $0x38;
	[tilespmem:$0xD780] =	vst v63  }
0x59: {  	_ =	swait.ge [sflag:s10], $0x2780  }
0x5a: {  	[sflag:s10] =	ssyncset.done $0x0  }
0x5b: {  	[sflag:s10] =	ssyncadd.s32 $0xFFFFD880  }
0x5c: {  	_ =	sfence.sel $0x180000  }
0x5d: {  	[bflag:$0x0] =	sbarrier.arrive $0xFFFF  }
0x5e: {  	p0 =	sne.s32 s1, $0x0;
	_ =	strace $0x90000047  }
0x5f: {  	s0 =	sadd.s32 @!p0 $0x100000, s0;
	[bflag:$0x2] =	sbarrier.arrive $0xFFFF  }
0x60: {  	[sflag:s0] =	ssyncadd.tile.s32 @!p0 $0x1;
	_ =	shalt  }
.Lfunc_end2:
_tile_overlayer_lowered:
.L_overlay_start_2:
0x61: {  	(tag) =	ssettag $0x2  }
0x62: {  	s0 =	rddreg [dreg:$0x0];
	s2 =	stileid.u32  }
0x63: {  	s1 =	rddreg [dreg:$0x1];
	p0 =	sne.s32 s2, $0x0  }
0x64: {  	s3 =	rddreg [dreg:$0x2];
	[bflag:$0x3] =	sbarrier.arrive $0xFFFF;
	s2 =	simm.s32 @!p0 $0x1C03  }
0x65: {  	[timem:s3], [sflag:s2] =	dma.local @!p0 [hbm:s0], s1  }
0x66: {  	s0 =	simm.s32 @!p0 $0x3  }
0x67: {  	_ =	swait.ge @!p0 [sflag:s0], s1  }
0x68: {  	s1 =	ssub.s32 @!p0 $0x0, s1;
	[sflag:s0] =	ssyncset.done @!p0 $0x0  }
0x69: {  	[sflag:s0] =	ssyncadd.s32 @!p0 s1  }
0x6a: {  	[bflag:$0x3] =	sbarrier.arrive $0xFFFF  }
0x6b: {  	_ =	shalt  }

// kernel: kernel.13.cloned.1.call-start
scs
__scs_entry_jumppad:
0x0: {  	(pc) =	sbr.rel $0x88, $3  }
0x1: {  	(tag) =	ssettag $0x0;
	lr =	simm.s32 $0x1  }
0x2: {  	[smem:$0x3F8C] =	sst lr;
	_ =	strace $0xD0000000  }
0x3: {  	_ = 	snop  }
0x4: {  	_ = 	snop  }
0x5: {  	_ = 	snop  }
0x6: {  	_ = 	snop  }
0x7: {  	_ = 	snop  }
__scs_overlays_trampoline_lowered:
0x8: {  	[smem:$0x3F9B] =	sst s0  }
0x9: {  	[smem:$0x3F9C] =	sst s1  }
0xa: {  	[smem:$0x3F9D] =	sst s2  }
0xb: {  	[smem:$0x3F9E] =	sst s3  }
0xc: {  	[smem:$0x3F9F] =	sst s4  }
0xd: {  	[smem:$0x3FA0] =	sst s5  }
0xe: {  	[smem:$0x3FA1] =	sst s6  }
0xf: {  	[smem:$0x3FA2] =	sst s7  }
0x10: {  	[smem:$0x3FA3] =	sst s8  }
0x11: {  	[smem:$0x3FA4] =	sst s9;
	s0 =	simm.s32 @!p0 $0x0  }
0x12: {  	s1 =	sld [smem:$0x3F8A];
	s0 =	simm.s32 @p0 $0x1  }
0x13: {  	[smem:$0x3FA5] =	sst s0;
	s0 =	simm.s32 @!p1 $0x0  }
0x14: {  	s2 =	sld [smem:$0x3F89];
	s0 =	simm.s32 @p1 $0x1  }
0x15: {  	[smem:$0x3FA6] =	sst s0;
	s0 =	simm.s32 @!p2 $0x0  }
0x16: {  	s3 =	sld [smem:$0x3FDB];
	s0 =	simm.s32 @p2 $0x1  }
0x17: {  	s4 =	simm.s32 $0x1BF5;
	[smem:$0x3FA8] =	sst s0  }
0x18: {  	s0 =	sld [smem:$0x3F8B];
	_ =	swait.ge [sflag:s4], $0x0  }
0x19: {  	s7 =	sld [smem:$0x3F8C]  }
0x1a: {  	s8 =	sadd.s32 $0xFFFFE003, lr  }
0x1b: {  	s9 =	sadd.s32 $0xFFFFFEF7, lr;
	s5 =	simm.s32 $0xFFFFFFFF;
	p2 =	slt.u32 s8, $0xFFFFF086  }
0x1c: {  	p1 =	slt.u32 s9, $0xF7A;
	s5 =	simm.s32 @!p2 $0x0  }
0x1d: {  	s5 =	simm.s32 @p1 $0x1;
	p0 =	seq.s32 s7, s2  }
0x1e: {  	s7 =	smul.u32 @!p0 $0xF7A, s2;
	p2 =	seq.s32 @!p0 s5, $0x0  }
0x1f: {  	s9 =	smul.u32 $0xF7A, s1;
	s8 =	simm.s32 @!p0 $0x1BF5;
	p2 =	por !p2, p0  }
0x20: {  	[sflag:s8] =	ssyncset.s32 @!p0 $0xFFFFF086;
	s6 =	sadd.s32 @!p0 s3, s7;
	s7 =	simm.s32 @!p0 $0x108  }
0x21: {  	s3 =	sadd.s32 s3, s9;
	s6 =	sadd.s32 @!p0 $0x88, s6;
	s7 =	simm.s32 @p2 $0x1082  }
0x22: {  	[simem:s7], [sflag:s8] =	dma.local @!p0 [hbm:s6], $0xF7A  }
0x23: {  	s9 =	sor.u32 $0xD0000000, s2;
	s6 =	simm.s32 $0x108;
	_ =	swait.ge @!p0 [sflag:s8], $0x0  }
0x24: {  	s3 =	sadd.s32 $0x88, s3;
	s6 =	simm.s32 @!p1 $0x1082;
	[sflag:s4] =	ssyncset.s32 $0xFFFFF086  }
0x25: {  	[simem:s6], [sflag:s4] =	dma.local [hbm:s3], $0xF7A  }
0x26: {  	[smem:$0x3F8C] =	sst s1;
	(tag) =	ssettag s2;
	_ =	strace s9  }
0x27: {  	s1 =	sld [smem:$0x3F9C]  }
0x28: {  	s2 =	sld [smem:$0x3F9D]  }
0x29: {  	s4 =	sld [smem:$0x3F9F]  }
0x2a: {  	p0 =	seq.s32 s5, $0x0;
	s5 =	sld [smem:$0x3FA0]  }
0x2b: {  	s6 =	sld [smem:$0x3FA1]  }
0x2c: {  	s7 =	sld [smem:$0x3FA2]  }
0x2d: {  	s3 =	simm.s32 $0x108;
	s8 =	sld [smem:$0x3FA3]  }
0x2e: {  	s3 =	simm.s32 @!p0 $0x1082;
	s9 =	sld [smem:$0x3FA4]  }
0x2f: {  	lr =	sadd.s32 s0, s3;
	s0 =	sld [smem:$0x3F9B]  }
0x30: {  	s3 =	sld [smem:$0x3F9E]  }
0x31: {  	[smem:$0x3FA7] =	sst s10  }
0x32: {  	s10 =	sld [smem:$0x3FA5];
	_ =	sdelay $0x3  }
0x33: {  	p0 =	seq.s32 s10, $0x1;
	s10 =	sld [smem:$0x3FA7];
	_ =	sdelay $0x3  }
0x34: {  	[smem:$0x3FA7] =	sst s10  }
0x35: {  	s10 =	sld [smem:$0x3FA6];
	_ =	sdelay $0x3  }
0x36: {  	p1 =	seq.s32 s10, $0x1;
	s10 =	sld [smem:$0x3FA7];
	_ =	sdelay $0x3  }
0x37: {  	[smem:$0x3FA7] =	sst s10  }
0x38: {  	s10 =	sld [smem:$0x3FA8]  }
0x39: {  	_ = 	snop;
	(pc) =	sbr.ind lr, $3  }
0x3a: {  	_ = 	snop  }
0x3b: {  	_ = 	snop  }
0x3c: {  	p2 =	seq.s32 s10, $0x1;
	s10 =	sld [smem:$0x3FA7]  }
0x3d: {  	_ =	shalt  }
0x3e: {  	_ =	shalt  }
0x3f: {  	_ =	shalt  }
0x40: {  	_ =	shalt  }
0x41: {  	_ =	shalt  }
0x42: {  	_ =	shalt  }
0x43: {  	_ =	shalt  }
0x44: {  	_ =	shalt  }
0x45: {  	_ =	shalt  }
0x46: {  	_ =	shalt  }
0x47: {  	_ =	shalt  }
0x48: {  	_ =	shalt  }
0x49: {  	_ =	shalt  }
0x4a: {  	_ =	shalt  }
0x4b: {  	_ =	shalt  }
0x4c: {  	_ =	shalt  }
0x4d: {  	_ =	shalt  }
0x4e: {  	_ =	shalt  }
0x4f: {  	_ =	shalt  }
0x50: {  	_ =	shalt  }
0x51: {  	_ =	shalt  }
0x52: {  	_ =	shalt  }
0x53: {  	_ =	shalt  }
0x54: {  	_ =	shalt  }
0x55: {  	_ =	shalt  }
0x56: {  	_ =	shalt  }
0x57: {  	_ =	shalt  }
0x58: {  	_ =	shalt  }
0x59: {  	_ =	shalt  }
0x5a: {  	_ =	shalt  }
0x5b: {  	_ =	shalt  }
0x5c: {  	_ =	shalt  }
0x5d: {  	_ =	shalt  }
0x5e: {  	_ =	shalt  }
0x5f: {  	_ =	shalt  }
0x60: {  	_ =	shalt  }
0x61: {  	_ =	shalt  }
0x62: {  	_ =	shalt  }
0x63: {  	_ =	shalt  }
0x64: {  	_ =	shalt  }
0x65: {  	_ =	shalt  }
0x66: {  	_ =	shalt  }
0x67: {  	_ =	shalt  }
0x68: {  	_ =	shalt  }
0x69: {  	_ =	shalt  }
0x6a: {  	_ =	shalt  }
0x6b: {  	_ =	shalt  }
0x6c: {  	_ =	shalt  }
0x6d: {  	_ =	shalt  }
0x6e: {  	_ =	shalt  }
0x6f: {  	_ =	shalt  }
0x70: {  	_ =	shalt  }
0x71: {  	_ =	shalt  }
0x72: {  	_ =	shalt  }
0x73: {  	_ =	shalt  }
0x74: {  	_ =	shalt  }
0x75: {  	_ =	shalt  }
0x76: {  	_ =	shalt  }
0x77: {  	_ =	shalt  }
0x78: {  	_ =	shalt  }
0x79: {  	_ =	shalt  }
0x7a: {  	_ =	shalt  }
0x7b: {  	_ =	shalt  }
0x7c: {  	_ =	shalt  }
0x7d: {  	_ =	shalt  }
0x7e: {  	_ =	shalt  }
0x7f: {  	_ =	shalt  }
0x80: {  	_ =	shalt  }
0x81: {  	_ =	shalt  }
0x82: {  	_ =	shalt  }
0x83: {  	_ =	shalt  }
0x84: {  	_ =	shalt  }
0x85: {  	_ =	shalt  }
0x86: {  	_ =	shalt  }
0x87: {  	_ =	shalt  }
.Lfunc_end0:
.L_simem_size_0:
called_computation.1_lowered:
.L_overlay_start_0:
0x88: {  	s2 =	sld [smem:$0x3FD9]  }
0x89: {  	s3 =	sld [smem:$0x3FFE];
	_ =	sdelay $0x1  }
0x8a: {  	s1 =	srdreg.scid  }
0x8b: {  	s0 =	sand.u32 $0x1, s1  }
0x8c: {  	s17 =	sshll.u32 s0, $0xA;
	s2 =	sadd.s32 s3, s2  }
0x8d: {  	s2 =	sadd.s32 s2, s17  }
0x8e: {  	[smem:$0x3FB3] =	sst s2  }
0x8f: {  	_ = 	snop  }
0x90: {  	(tm) =	ssettm $0x1  }
0x91: {  	s18 =	sld [smem:$0x3FFB];
	_ =	sdelay $0x3  }
0x92: {  	_ =	strace s18  }
0x93: {  	s2 =	sld [smem:$0x3FFC];
	_ =	sdelay $0x3  }
0x94: {  	_ =	strace s2  }
0x95: {  	s2 =	sld [smem:$0x3FFD];
	_ =	sdelay $0x3  }
0x96: {  	_ =	strace s2  }
0x97: {  	_ =	strace $0x8FFFFFFF  }
0x98: {  	s19 =	sld [smem:$0x3FDB];
	_ =	sdelay $0x1  }
0x99: {  	s20 =	simm.s32 $_scs_section_size  }
0x9a: {  	s4 =	simm.s32 $_size__tile_overlayer_lowered;
	s5 =	simm.s32 $_tile_overlayer_lowered  }
0x9b: {  	s6 =	simm.s32 $0x1BFF;
	s21 =	sshll.u32 s5, $0x1;
	s3 =	sadd.s32 s20, s19  }
0x9c: {  	s22 =	simm.s32 $0x0;
	s4 =	sshll.u32 s4, $0x1;
	s5 =	sadd.s32 s21, s3  }
0x9d: {  	[timem:s22], [sflag:s6] =	dma.local [hbm:s5], s4  }
0x9e: {  	_ =	swait.ge [sflag:s6], s4  }
0x9f: {  	s4 =	ssub.s32 $0x0, s4;
	[sflag:s6] =	ssyncset.done $0x0  }
0xa0: {  	[sflag:s6] =	ssyncadd.s32 s4;
	_ =	sdelay $0x1  }
0xa1: {  	s23 =	simm.s32 $0x1B8B  }
0xa2: {  	_ =	swait.ge [sflag:s23], $0x1  }
0xa3: {  	[sflag:s23] =	ssyncset.done $0x0  }
0xa4: {  	[sflag:s23] =	ssyncadd.s32 $0xFFFFFFFF  }
0xa5: {  	s4 =	sld [smem:$0x0]  }
0xa6: {  	s5 =	sand.u32 $0xFFFFFFFE, s1  }
0xa7: {  	p0 =	sne.s32 s1, s5  }
0xa8: {  	s5 =	sshll.u32 @p0 s5, $0xE  }
0xa9: {  	s5 =	sadd.s32 @p0 $0x11B8D, s5;
	s6 =	sshll.u32 @p0 s4, $0x11  }
0xaa: {  	s5 =	sor.u32 @p0 s6, s5  }
0xab: {  	[sflag:s5] =	ssyncadd.remote.s32 @p0 $0x1;
	_ =	sdelay $0x1  }
0xac: {  	s5 =	simm.s32 @p0 $0x1B8D  }
0xad: {  	_ =	swait.eq @p0 [sflag:s5], $0x1  }
0xae: {  	[sflag:s5] =	ssyncadd.s32 @p0 $0xFFFFFFFF  }
0xaf: {  	s6 =	sshll.u32 @!p0 s1, $0xE  }
0xb0: {  	s6 =	sor.u32 @!p0 $0x4000, s6;
	s5 =	simm.s32 @!p0 $0x1B8D  }
0xb1: {  	s4 =	sshll.u32 @!p0 s4, $0x11;
	s6 =	sadd.s32 @!p0 $0x11B8D, s6;
	_ =	swait.eq @!p0 [sflag:s5], $0x1  }
0xb2: {  	s4 =	sor.u32 @!p0 s4, s6;
	[sflag:s5] =	ssyncadd.s32 @!p0 $0xFFFFFFFF  }
0xb3: {  	s25 =	simm.s32 $0x1B8E;
	s24 =	sld [smem:$0x3FFE];
	[sflag:s4] =	ssyncadd.remote.s32 @!p0 $0x1  }
0xb4: {  	s26 =	simm.s32 $execute0_lowered;
	[smem:$0x3FD2] =	sst s25  }
0xb5: {  	s5 =	sshll.u32 s26, $0x1;
	_ =	strace $0x8000004C;
	[dreg:$0x1] =	wrdreg $0xFFFFFFFF  }
0xb6: {  	s28 =	simm.s32 $_size_execute0_lowered;
	s3 =	sadd.s32 s3, s5;
	[dreg:$0x0] =	wrdreg $0x0  }
0xb7: {  	s5 =	sshll.u32 s28, $0x1;
	[dreg:$0x2] =	wrdreg s3  }
0xb8: {  	[dreg:$0x3] =	wrdreg s5  }
0xb9: {  	[dreg:$0x4] =	wrdreg $0xC0  }
0xba: {  	_ =	task [dreg:s22], $0x5FFFF  }
0xbb: {  	[dreg:$0x1] =	wrdreg $0xFFFFFFFF  }
0xbc: {  	[dreg:$0x0] =	wrdreg $0x60  }
0xbd: {  	[dreg:$0x2] =	wrdreg s24  }
0xbe: {  	[dreg:$0x3] =	wrdreg $0x70000  }
0xbf: {  	[dreg:$0x4] =	wrdreg $0x9  }
0xc0: {  	_ =	task.clear_ibuf [dreg:s22], $0x5FFFF;
	_ =	strace $0x9000004C  }
0xc1: {  	s29 =	simm.s32 $0x9;
	_ =	strace $0x8000004E  }
0xc2: {  	_ =	swait.ge [sflag:s29], $0x1  }
0xc3: {  	[sflag:s29] =	ssyncadd.s32 $0xFFFFFFFF  }
0xc4: {  	_ =	strace $0x9000004E  }
0xc5: {  	_ =	sfence  }
0xc6: {  	s30 =	sld [smem:$0x0];
	_ =	sdelay $0x2  }
0xc7: {  	s31 =	sshll.u32 s1, $0xD;
	s1 =	sshrl.u32 s1, $0x2  }
0xc8: {  	s4 =	sand.u32 $0x4000, s31;
	s1 =	sadd.s32 s1, s30  }
0xc9: {  	s0 =	sor.u32 s4, s0;
	s1 =	sshll.u32 s1, $0x11  }
0xca: {  	s0 =	sor.u32 s1, s0  }
0xcb: {  	s0 =	sadd.s32 $0x8F2B, s0  }
0xcc: {  	[sflag:s0] =	ssyncadd.remote.s32 $0x1  }
0xcd: {  	_ =	sfence.sel $0xFFFF  }
0xce: {  	[dreg:$0x0] =	wrdreg $0xFFFFFFFF;
	(pc) =	sbr.abs _section_cstart, $3  }
0xcf: {  	[dreg:$0x1] =	wrdreg $0xFFFFFFFF  }
0xd0: {  	_ =	task.clear_ibuf [dreg:s22], $0x2FFFF;
	_ =	strace $0x9FFFFFFF  }
0xd1: {  	(tm) =	ssettm $0x7FFFFFFF  }
tec
execute0_lowered:
.L_overlay_start_1:
0x0: {  	(tag) =	ssettag $0x1  }
0x1: {  	s4 =	rddreg [dreg:$0x0]  }
0x2: {  	s1 =	rddreg [dreg:$0x1]  }
0x3: {  	s0 =	rddreg [dreg:$0x2];
	s3 =	srdreg.scid  }
0x4: {  	s9 =	stileid.u32;
	s2 =	simm.s32 $0x0;
	s14 =	simm.s32 $0x50  }
0x5: {  	s15 =	simm.s32 $0x2;
	s16 =	simm.s32 $0x1F00;
	s17 =	simm.s32 $0x0  }
0x6: {  	s5 =	sand.u32 $0x1, s3;
	s29 =	sshll.u32 s9, $0x1;
	[smem:$0x7FF] =	sst s2  }
0x7: {  	s8 =	sadd.s32 $0x549C00, s4;
	s12 =	smul.u32 $0x27600, s9;
	p0 =	sne.s32 s9, $0x0  }
0x8: {  	s9 =	simm.s32 $0x3;
	s3 =	sor.u32 s5, s29;
	s7 =	smul.u32 $0x27100, s5  }
0x9: {  	_ =	strace $0x8000004D;
	s11 =	ssub.s32 $0x2, s5;
	s13 =	smul.u32 $0x13B00, s5  }
0xa: {  	s6 =	sshll.u32 s3, $0xA;
	s10 =	smul.u32 $0x13B00, s3;
	s3 =	sadd.s32 $0x4DE00, s4  }
0xb: {  	s30 =	sshrl.u32 s11, $0x1;
	s12 =	sadd.s32 s12, s8;
	s6 =	sadd.s32 s6, s4  }
0xc: {  	s7 =	sadd.s32 s7, s4;
	s11 =	ssub.s32 s11, s30;
	s31 =	sadd.s32 s13, s12  }
0xd: {  	s12 =	simm.s32 $0x4800;
	s13 =	simm.s32 $0x1;
	s4 =	sadd.s32 $0x541C00, s6  }
0xe: {  	s5 =	sadd.s32 s8, s10;
	s6 =	sadd.s32 $0x75000, s7;
	s7 =	smax.u32 s11, $0x1  }
0xf: {  	s8 =	sadd.s32 $0xA00, s31;
	s10 =	sshrl.u32 @!p0 s1, $0x3;
	s11 =	simm.s32 $0x2000  }
.LBB2_1:
0x10: {  	[tilespmem:s2], [sflag:$0x3] =	stream.linear.gather [hbm4b:s4+s2], $0x1F80, $0x38;
	[tilespmem:$0x1A880] =	vst v63  }
0x11: {  	_ =	swait.ge [sflag:s9], $0x1F80  }
0x12: {  	[sflag:s9] =	ssyncset.done $0x0  }
0x13: {  	s18 =	simm.s32 @!p0 $0x1C03;
	[sflag:s9] =	ssyncadd.s32 $0xFFFFE080  }
0x14: {  	[spmem:s10], [sflag:s18] =	dma.local @!p0 [hbm:s3], $0x27100  }
0x15: {  	s18 =	simm.s32 @!p0 $0x3  }
0x16: {  	_ =	swait.ge @!p0 [sflag:s18], $0x27100  }
0x17: {  	[sflag:s18] =	ssyncset.done @!p0 $0x0  }
0x18: {  	[sflag:s18] =	ssyncadd.s32 @!p0 $0xFFFD8F00  }
0x19: {  	[bflag:$0x0] =	sbarrier.arrive $0xFFFF  }
0x1a: {  	[tilespmem:s11], [sflag:$0x1] =	stream.linear.gather [hbm4b:s5+s2], $0x2800, $0x38;
	[tilespmem:$0x1A880] =	vst v63  }
0x1b: {  	s29 =	sadd.s32 $0xFFFFFB00, s8  }
0x1c: {  	[tilespmem:s12], [sflag:$0x2] =	stream.linear.gather [hbm4b:s29+s2], $0x2800, $0x38;
	[tilespmem:$0x1A880] =	vst v63  }
0x1d: {  	_ =	swait.ge [sflag:s13], $0x2800  }
0x1e: {  	[sflag:s13] =	ssyncset.done $0x0  }
0x1f: {  	s30 =	simm.s32 $0x0;
	[sflag:s13] =	ssyncadd.s32 $0xFFFFD800  }
0x20: {  	[spmem:s1] =	stream.indirect.scatter.add.f32 [tilespmem:s11], [sflag:$0x3], $0x80, s30, s14, $0xb8;
	[tilespmem:$0x1A880] =	vst v63  }
0x21: {  	_ =	swait.ge [sflag:s9], $0x2800  }
0x22: {  	[sflag:s9] =	ssyncset.done $0x0  }
0x23: {  	[sflag:s9] =	ssyncadd.s32 $0xFFFFD800  }
0x24: {  	[tilespmem:s11], [sflag:$0x1] =	stream.linear.gather [hbm4b:s8+s2], $0x2800, $0x38;
	[tilespmem:$0x1A880] =	vst v63  }
0x25: {  	_ =	swait.ge [sflag:s15], $0x2800  }
0x26: {  	[sflag:s15] =	ssyncset.done $0x0  }
0x27: {  	s31 =	simm.s32 $0x80;
	[sflag:s15] =	ssyncadd.s32 $0xFFFFD800  }
0x28: {  	[spmem:s1] =	stream.indirect.scatter.add.f32 [tilespmem:s12], [sflag:$0x3], $0x80, s31, s14, $0xb8;
	[tilespmem:$0x1A880] =	vst v63  }
0x29: {  	s19 =	simm.s32 $0x400;
	_ =	swait.ge [sflag:s9], $0x2800  }
0x2a: {  	s20 =	simm.s32 $0x800;
	s18 =	sadd.s32 $0xA00, s8;
	[sflag:s9] =	ssyncset.done $0x0  }
.LBB2_2:
0x2b: {  	p1 =	sne.s32 s20, $0x7800;
	s21 =	sadd.s32 $0xFFFFFB00, s18;
	[sflag:s9] =	ssyncadd.s32 $0xFFFFD800  }
0x2c: {  	[tilespmem:s12], [sflag:$0x2] =	stream.linear.gather [hbm4b:s21+s2], $0x2800, $0x38;
	[tilespmem:$0x1A880] =	vst v63  }
0x2d: {  	s21 =	smov.u32 s20;
	s20 =	sadd.s32 $0x400, s20;
	_ =	swait.ge [sflag:s13], $0x2800  }
0x2e: {  	[sflag:s13] =	ssyncset.done $0x0  }
0x2f: {  	s22 =	sshra.s32 s19, $0x2;
	s19 =	smov.u32 s21;
	[sflag:s13] =	ssyncadd.s32 $0xFFFFD800  }
0x30: {  	[spmem:s1] =	stream.indirect.scatter.add.f32 [tilespmem:s11], [sflag:$0x3], $0x80, s22, s14, $0xb8;
	[tilespmem:$0x1A880] =	vst v63  }
0x31: {  	_ =	swait.ge [sflag:s9], $0x2800  }
0x32: {  	[sflag:s9] =	ssyncset.done $0x0  }
0x33: {  	[sflag:s9] =	ssyncadd.s32 $0xFFFFD800  }
0x34: {  	[tilespmem:s11], [sflag:$0x1] =	stream.linear.gather [hbm4b:s18+s2], $0x2800, $0x38;
	[tilespmem:$0x1A880] =	vst v63  }
0x35: {  	_ =	swait.ge [sflag:s15], $0x2800  }
.Ltmp0:
0x36: {  	[sflag:s15] =	ssyncset.done $0x0;
	(pc) =	sbr.rel @p1 .LBB2_2-.Ltmp0, $4  }
0x37: {  	s21 =	sadd.s32 $0x80, s22;
	[sflag:s15] =	ssyncadd.s32 $0xFFFFD800  }
0x38: {  	[spmem:s1] =	stream.indirect.scatter.add.f32 [tilespmem:s12], [sflag:$0x3], $0x80, s21, s14, $0xb8;
	[tilespmem:$0x1A880] =	vst v63  }
0x39: {  	_ =	swait.ge [sflag:s9], $0x2800  }
0x3a: {  	s18 =	sadd.s32 $0xA00, s18;
	[sflag:s9] =	ssyncset.done $0x0  }
0x3b: {  	s20 =	sadd.s32 $0xFFFFFB00, s18;
	[sflag:s9] =	ssyncadd.s32 $0xFFFFD800  }
0x3c: {  	[tilespmem:s12], [sflag:$0x2] =	stream.linear.gather [hbm4b:s20+s2], $0x2800, $0x38;
	[tilespmem:$0x1A880] =	vst v63  }
0x3d: {  	_ =	swait.ge [sflag:s13], $0x2800  }
0x3e: {  	[sflag:s13] =	ssyncset.done $0x0  }
0x3f: {  	s19 =	sshra.s32 s19, $0x2;
	[sflag:s13] =	ssyncadd.s32 $0xFFFFD800  }
0x40: {  	[spmem:s1] =	stream.indirect.scatter.add.f32 [tilespmem:s11], [sflag:$0x3], $0x80, s19, s14, $0xb8;
	[tilespmem:$0x1A880] =	vst v63  }
0x41: {  	_ =	swait.ge [sflag:s9], $0x2800  }
0x42: {  	[sflag:s9] =	ssyncset.done $0x0  }
0x43: {  	[sflag:s9] =	ssyncadd.s32 $0xFFFFD800  }
0x44: {  	[tilespmem:s11], [sflag:$0x1] =	stream.linear.gather [hbm4b:s18+s2], $0x2800, $0x38;
	[tilespmem:$0x1A880] =	vst v63  }
0x45: {  	_ =	swait.ge [sflag:s15], $0x2800  }
0x46: {  	[sflag:s15] =	ssyncset.done $0x0  }
0x47: {  	s31 =	sadd.s32 $0x80, s19;
	[sflag:s15] =	ssyncadd.s32 $0xFFFFD800  }
0x48: {  	[spmem:s1] =	stream.indirect.scatter.add.f32 [tilespmem:s12], [sflag:$0x3], $0x80, s31, s14, $0xb8;
	[tilespmem:$0x1A880] =	vst v63  }
0x49: {  	_ =	swait.ge [sflag:s9], $0x2800  }
0x4a: {  	[sflag:s9] =	ssyncset.done $0x0  }
0x4b: {  	[sflag:s9] =	ssyncadd.s32 $0xFFFFD800  }
0x4c: {  	_ =	swait.ge [sflag:s13], $0x2800  }
0x4d: {  	[sflag:s13] =	ssyncset.done $0x0  }
0x4e: {  	[sflag:s13] =	ssyncadd.s32 $0xFFFFD800  }
0x4f: {  	[spmem:s1] =	stream.indirect.scatter.add.f32 [tilespmem:s11], [sflag:$0x3], $0x80, s16, s14, $0xb8;
	[tilespmem:$0x1A880] =	vst v63  }
0x50: {  	_ =	swait.ge [sflag:s9], $0x2800  }
0x51: {  	[sflag:s9] =	ssyncset.done $0x0  }
0x52: {  	s17 =	sadd.s32 $0x1, s17;
	[sflag:s9] =	ssyncadd.s32 $0xFFFFD800  }
0x53: {  	p1 =	sne.s32 s17, s7;
	s18 =	simm.s32 @!p0 $0x1C03;
	[bflag:$0x0] =	sbarrier.arrive $0xFFFF  }
0x54: {  	[hbm:s6], [sflag:s18] =	dma.local @!p0 [spmem:s10], $0x27100  }
.Ltmp1:
0x55: {  	_ = 	snop;
	(pc) =	sbr.rel @p1 .LBB2_1-.Ltmp1, $4  }
0x56: {  	s18 =	simm.s32 @!p0 $0x3  }
0x57: {  	_ =	swait.ge @!p0 [sflag:s18], $0x27100  }
0x58: {  	[sflag:s18] =	ssyncset.done @!p0 $0x0  }
0x59: {  	[sflag:s18] =	ssyncadd.s32 @!p0 $0xFFFD8F00  }
0x5a: {  	_ =	sfence.sel $0x180000  }
0x5b: {  	[bflag:$0x0] =	sbarrier.arrive $0xFFFF  }
0x5c: {  	_ =	strace $0x9000004D  }
0x5d: {  	s0 =	sadd.s32 @!p0 $0x100000, s0;
	[bflag:$0x2] =	sbarrier.arrive $0xFFFF  }
0x5e: {  	[sflag:s0] =	ssyncadd.tile.s32 @!p0 $0x1;
	_ =	shalt  }
.Lfunc_end2:
_tile_overlayer_lowered:
.L_overlay_start_2:
0x5f: {  	(tag) =	ssettag $0x2  }
0x60: {  	s0 =	rddreg [dreg:$0x0];
	s2 =	stileid.u32  }
0x61: {  	s1 =	rddreg [dreg:$0x1];
	p0 =	sne.s32 s2, $0x0  }
0x62: {  	s3 =	rddreg [dreg:$0x2];
	[bflag:$0x3] =	sbarrier.arrive $0xFFFF;
	s2 =	simm.s32 @!p0 $0x1C03  }
0x63: {  	[timem:s3], [sflag:s2] =	dma.local @!p0 [hbm:s0], s1  }
0x64: {  	s0 =	simm.s32 @!p0 $0x3  }
0x65: {  	_ =	swait.ge @!p0 [sflag:s0], s1  }
0x66: {  	s1 =	ssub.s32 @!p0 $0x0, s1;
	[sflag:s0] =	ssyncset.done @!p0 $0x0  }
0x67: {  	[sflag:s0] =	ssyncadd.s32 @!p0 s1  }
0x68: {  	[bflag:$0x3] =	sbarrier.arrive $0xFFFF  }
0x69: {  	_ =	shalt  }

// kernel: kernel.16.cloned.1.call-start
scs
__scs_entry_jumppad:
0x0: {  	(pc) =	sbr.rel $0x88, $3  }
0x1: {  	(tag) =	ssettag $0x0;
	lr =	simm.s32 $0x1  }
0x2: {  	[smem:$0x3F8C] =	sst lr;
	_ =	strace $0xD0000000  }
0x3: {  	_ = 	snop  }
0x4: {  	_ = 	snop  }
0x5: {  	_ = 	snop  }
0x6: {  	_ = 	snop  }
0x7: {  	_ = 	snop  }
__scs_overlays_trampoline_lowered:
0x8: {  	[smem:$0x3F9B] =	sst s0  }
0x9: {  	[smem:$0x3F9C] =	sst s1  }
0xa: {  	[smem:$0x3F9D] =	sst s2  }
0xb: {  	[smem:$0x3F9E] =	sst s3  }
0xc: {  	[smem:$0x3F9F] =	sst s4  }
0xd: {  	[smem:$0x3FA0] =	sst s5  }
0xe: {  	[smem:$0x3FA1] =	sst s6  }
0xf: {  	[smem:$0x3FA2] =	sst s7  }
0x10: {  	[smem:$0x3FA3] =	sst s8  }
0x11: {  	[smem:$0x3FA4] =	sst s9;
	s0 =	simm.s32 @!p0 $0x0  }
0x12: {  	s1 =	sld [smem:$0x3F8A];
	s0 =	simm.s32 @p0 $0x1  }
0x13: {  	[smem:$0x3FA5] =	sst s0;
	s0 =	simm.s32 @!p1 $0x0  }
0x14: {  	s2 =	sld [smem:$0x3F89];
	s0 =	simm.s32 @p1 $0x1  }
0x15: {  	[smem:$0x3FA6] =	sst s0;
	s0 =	simm.s32 @!p2 $0x0  }
0x16: {  	s3 =	sld [smem:$0x3FDB];
	s0 =	simm.s32 @p2 $0x1  }
0x17: {  	s4 =	simm.s32 $0x1BF5;
	[smem:$0x3FA8] =	sst s0  }
0x18: {  	s0 =	sld [smem:$0x3F8B];
	_ =	swait.ge [sflag:s4], $0x0  }
0x19: {  	s7 =	sld [smem:$0x3F8C]  }
0x1a: {  	s8 =	sadd.s32 $0xFFFFE003, lr  }
0x1b: {  	s9 =	sadd.s32 $0xFFFFFEF7, lr;
	s5 =	simm.s32 $0xFFFFFFFF;
	p2 =	slt.u32 s8, $0xFFFFF086  }
0x1c: {  	p1 =	slt.u32 s9, $0xF7A;
	s5 =	simm.s32 @!p2 $0x0  }
0x1d: {  	s5 =	simm.s32 @p1 $0x1;
	p0 =	seq.s32 s7, s2  }
0x1e: {  	s7 =	smul.u32 @!p0 $0xF7A, s2;
	p2 =	seq.s32 @!p0 s5, $0x0  }
0x1f: {  	s9 =	smul.u32 $0xF7A, s1;
	s8 =	simm.s32 @!p0 $0x1BF5;
	p2 =	por !p2, p0  }
0x20: {  	[sflag:s8] =	ssyncset.s32 @!p0 $0xFFFFF086;
	s6 =	sadd.s32 @!p0 s3, s7;
	s7 =	simm.s32 @!p0 $0x108  }
0x21: {  	s3 =	sadd.s32 s3, s9;
	s6 =	sadd.s32 @!p0 $0x88, s6;
	s7 =	simm.s32 @p2 $0x1082  }
0x22: {  	[simem:s7], [sflag:s8] =	dma.local @!p0 [hbm:s6], $0xF7A  }
0x23: {  	s9 =	sor.u32 $0xD0000000, s2;
	s6 =	simm.s32 $0x108;
	_ =	swait.ge @!p0 [sflag:s8], $0x0  }
0x24: {  	s3 =	sadd.s32 $0x88, s3;
	s6 =	simm.s32 @!p1 $0x1082;
	[sflag:s4] =	ssyncset.s32 $0xFFFFF086  }
0x25: {  	[simem:s6], [sflag:s4] =	dma.local [hbm:s3], $0xF7A  }
0x26: {  	[smem:$0x3F8C] =	sst s1;
	(tag) =	ssettag s2;
	_ =	strace s9  }
0x27: {  	s1 =	sld [smem:$0x3F9C]  }
0x28: {  	s2 =	sld [smem:$0x3F9D]  }
0x29: {  	s4 =	sld [smem:$0x3F9F]  }
0x2a: {  	p0 =	seq.s32 s5, $0x0;
	s5 =	sld [smem:$0x3FA0]  }
0x2b: {  	s6 =	sld [smem:$0x3FA1]  }
0x2c: {  	s7 =	sld [smem:$0x3FA2]  }
0x2d: {  	s3 =	simm.s32 $0x108;
	s8 =	sld [smem:$0x3FA3]  }
0x2e: {  	s3 =	simm.s32 @!p0 $0x1082;
	s9 =	sld [smem:$0x3FA4]  }
0x2f: {  	lr =	sadd.s32 s0, s3;
	s0 =	sld [smem:$0x3F9B]  }
0x30: {  	s3 =	sld [smem:$0x3F9E]  }
0x31: {  	[smem:$0x3FA7] =	sst s10  }
0x32: {  	s10 =	sld [smem:$0x3FA5];
	_ =	sdelay $0x3  }
0x33: {  	p0 =	seq.s32 s10, $0x1;
	s10 =	sld [smem:$0x3FA7];
	_ =	sdelay $0x3  }
0x34: {  	[smem:$0x3FA7] =	sst s10  }
0x35: {  	s10 =	sld [smem:$0x3FA6];
	_ =	sdelay $0x3  }
0x36: {  	p1 =	seq.s32 s10, $0x1;
	s10 =	sld [smem:$0x3FA7];
	_ =	sdelay $0x3  }
0x37: {  	[smem:$0x3FA7] =	sst s10  }
0x38: {  	s10 =	sld [smem:$0x3FA8]  }
0x39: {  	_ = 	snop;
	(pc) =	sbr.ind lr, $3  }
0x3a: {  	_ = 	snop  }
0x3b: {  	_ = 	snop  }
0x3c: {  	p2 =	seq.s32 s10, $0x1;
	s10 =	sld [smem:$0x3FA7]  }
0x3d: {  	_ =	shalt  }
0x3e: {  	_ =	shalt  }
0x3f: {  	_ =	shalt  }
0x40: {  	_ =	shalt  }
0x41: {  	_ =	shalt  }
0x42: {  	_ =	shalt  }
0x43: {  	_ =	shalt  }
0x44: {  	_ =	shalt  }
0x45: {  	_ =	shalt  }
0x46: {  	_ =	shalt  }
0x47: {  	_ =	shalt  }
0x48: {  	_ =	shalt  }
0x49: {  	_ =	shalt  }
0x4a: {  	_ =	shalt  }
0x4b: {  	_ =	shalt  }
0x4c: {  	_ =	shalt  }
0x4d: {  	_ =	shalt  }
0x4e: {  	_ =	shalt  }
0x4f: {  	_ =	shalt  }
0x50: {  	_ =	shalt  }
0x51: {  	_ =	shalt  }
0x52: {  	_ =	shalt  }
0x53: {  	_ =	shalt  }
0x54: {  	_ =	shalt  }
0x55: {  	_ =	shalt  }
0x56: {  	_ =	shalt  }
0x57: {  	_ =	shalt  }
0x58: {  	_ =	shalt  }
0x59: {  	_ =	shalt  }
0x5a: {  	_ =	shalt  }
0x5b: {  	_ =	shalt  }
0x5c: {  	_ =	shalt  }
0x5d: {  	_ =	shalt  }
0x5e: {  	_ =	shalt  }
0x5f: {  	_ =	shalt  }
0x60: {  	_ =	shalt  }
0x61: {  	_ =	shalt  }
0x62: {  	_ =	shalt  }
0x63: {  	_ =	shalt  }
0x64: {  	_ =	shalt  }
0x65: {  	_ =	shalt  }
0x66: {  	_ =	shalt  }
0x67: {  	_ =	shalt  }
0x68: {  	_ =	shalt  }
0x69: {  	_ =	shalt  }
0x6a: {  	_ =	shalt  }
0x6b: {  	_ =	shalt  }
0x6c: {  	_ =	shalt  }
0x6d: {  	_ =	shalt  }
0x6e: {  	_ =	shalt  }
0x6f: {  	_ =	shalt  }
0x70: {  	_ =	shalt  }
0x71: {  	_ =	shalt  }
0x72: {  	_ =	shalt  }
0x73: {  	_ =	shalt  }
0x74: {  	_ =	shalt  }
0x75: {  	_ =	shalt  }
0x76: {  	_ =	shalt  }
0x77: {  	_ =	shalt  }
0x78: {  	_ =	shalt  }
0x79: {  	_ =	shalt  }
0x7a: {  	_ =	shalt  }
0x7b: {  	_ =	shalt  }
0x7c: {  	_ =	shalt  }
0x7d: {  	_ =	shalt  }
0x7e: {  	_ =	shalt  }
0x7f: {  	_ =	shalt  }
0x80: {  	_ =	shalt  }
0x81: {  	_ =	shalt  }
0x82: {  	_ =	shalt  }
0x83: {  	_ =	shalt  }
0x84: {  	_ =	shalt  }
0x85: {  	_ =	shalt  }
0x86: {  	_ =	shalt  }
0x87: {  	_ =	shalt  }
.Lfunc_end0:
.L_simem_size_0:
called_computation.2_lowered:
.L_overlay_start_0:
0x88: {  	s2 =	sld [smem:$0x3FD9]  }
0x89: {  	s3 =	sld [smem:$0x3FFE];
	_ =	sdelay $0x1  }
0x8a: {  	s1 =	srdreg.scid  }
0x8b: {  	s0 =	sand.u32 $0x1, s1  }
0x8c: {  	s17 =	sshll.u32 s0, $0xA;
	s2 =	sadd.s32 s3, s2  }
0x8d: {  	s2 =	sadd.s32 s2, s17  }
0x8e: {  	[smem:$0x3FB3] =	sst s2  }
0x8f: {  	_ = 	snop  }
0x90: {  	(tm) =	ssettm $0x1  }
0x91: {  	s18 =	sld [smem:$0x3FFB];
	_ =	sdelay $0x3  }
0x92: {  	_ =	strace s18  }
0x93: {  	s2 =	sld [smem:$0x3FFC];
	_ =	sdelay $0x3  }
0x94: {  	_ =	strace s2  }
0x95: {  	s2 =	sld [smem:$0x3FFD];
	_ =	sdelay $0x3  }
0x96: {  	_ =	strace s2  }
0x97: {  	_ =	strace $0x8FFFFFFF  }
0x98: {  	s19 =	sld [smem:$0x3FDB];
	_ =	sdelay $0x1  }
0x99: {  	s20 =	simm.s32 $_scs_section_size  }
0x9a: {  	s4 =	simm.s32 $_size__tile_overlayer_lowered;
	s5 =	simm.s32 $_tile_overlayer_lowered  }
0x9b: {  	s6 =	simm.s32 $0x1BFF;
	s21 =	sshll.u32 s5, $0x1;
	s3 =	sadd.s32 s20, s19  }
0x9c: {  	s22 =	simm.s32 $0x0;
	s4 =	sshll.u32 s4, $0x1;
	s5 =	sadd.s32 s21, s3  }
0x9d: {  	[timem:s22], [sflag:s6] =	dma.local [hbm:s5], s4  }
0x9e: {  	_ =	swait.ge [sflag:s6], s4  }
0x9f: {  	s4 =	ssub.s32 $0x0, s4;
	[sflag:s6] =	ssyncset.done $0x0  }
0xa0: {  	[sflag:s6] =	ssyncadd.s32 s4;
	_ =	sdelay $0x1  }
0xa1: {  	s23 =	simm.s32 $0x1B8B  }
0xa2: {  	_ =	swait.ge [sflag:s23], $0x1  }
0xa3: {  	[sflag:s23] =	ssyncset.done $0x0  }
0xa4: {  	[sflag:s23] =	ssyncadd.s32 $0xFFFFFFFF  }
0xa5: {  	s4 =	sld [smem:$0x0]  }
0xa6: {  	s5 =	sand.u32 $0xFFFFFFFE, s1  }
0xa7: {  	p0 =	sne.s32 s1, s5  }
0xa8: {  	s5 =	sshll.u32 @p0 s5, $0xE  }
0xa9: {  	s5 =	sadd.s32 @p0 $0x11B8D, s5;
	s6 =	sshll.u32 @p0 s4, $0x11  }
0xaa: {  	s5 =	sor.u32 @p0 s6, s5  }
0xab: {  	[sflag:s5] =	ssyncadd.remote.s32 @p0 $0x1;
	_ =	sdelay $0x1  }
0xac: {  	s5 =	simm.s32 @p0 $0x1B8D  }
0xad: {  	_ =	swait.eq @p0 [sflag:s5], $0x1  }
0xae: {  	[sflag:s5] =	ssyncadd.s32 @p0 $0xFFFFFFFF  }
0xaf: {  	s6 =	sshll.u32 @!p0 s1, $0xE  }
0xb0: {  	s6 =	sor.u32 @!p0 $0x4000, s6;
	s5 =	simm.s32 @!p0 $0x1B8D  }
0xb1: {  	s4 =	sshll.u32 @!p0 s4, $0x11;
	s6 =	sadd.s32 @!p0 $0x11B8D, s6;
	_ =	swait.eq @!p0 [sflag:s5], $0x1  }
0xb2: {  	s4 =	sor.u32 @!p0 s4, s6;
	[sflag:s5] =	ssyncadd.s32 @!p0 $0xFFFFFFFF  }
0xb3: {  	s25 =	simm.s32 $0x1B8E;
	s24 =	sld [smem:$0x3FFE];
	[sflag:s4] =	ssyncadd.remote.s32 @!p0 $0x1  }
0xb4: {  	s26 =	simm.s32 $execute0_lowered;
	[smem:$0x3FD2] =	sst s25  }
0xb5: {  	s5 =	sshll.u32 s26, $0x1;
	_ =	strace $0x80000049;
	[dreg:$0x1] =	wrdreg $0xFFFFFFFF  }
0xb6: {  	s28 =	simm.s32 $_size_execute0_lowered;
	s3 =	sadd.s32 s3, s5;
	[dreg:$0x0] =	wrdreg $0x0  }
0xb7: {  	s5 =	sshll.u32 s28, $0x1;
	[dreg:$0x2] =	wrdreg s3  }
0xb8: {  	[dreg:$0x3] =	wrdreg s5  }
0xb9: {  	[dreg:$0x4] =	wrdreg $0xC0  }
0xba: {  	_ =	task [dreg:s22], $0x5FFFF  }
0xbb: {  	[dreg:$0x1] =	wrdreg $0xFFFFFFFF  }
0xbc: {  	[dreg:$0x0] =	wrdreg $0x60  }
0xbd: {  	[dreg:$0x2] =	wrdreg s24  }
0xbe: {  	[dreg:$0x3] =	wrdreg $0xA  }
0xbf: {  	_ =	task.clear_ibuf [dreg:s22], $0x4FFFF;
	_ =	strace $0x90000049  }
0xc0: {  	s29 =	simm.s32 $0xA;
	_ =	strace $0x8000004B  }
0xc1: {  	_ =	swait.ge [sflag:s29], $0x1  }
0xc2: {  	[sflag:s29] =	ssyncadd.s32 $0xFFFFFFFF  }
0xc3: {  	_ =	strace $0x9000004B  }
0xc4: {  	_ =	sfence  }
0xc5: {  	s30 =	sld [smem:$0x0];
	_ =	sdelay $0x2  }
0xc6: {  	s31 =	sshll.u32 s1, $0xD;
	s1 =	sshrl.u32 s1, $0x2  }
0xc7: {  	s4 =	sand.u32 $0x4000, s31;
	s1 =	sadd.s32 s1, s30  }
0xc8: {  	s0 =	sor.u32 s4, s0;
	s1 =	sshll.u32 s1, $0x11  }
0xc9: {  	s0 =	sor.u32 s1, s0  }
0xca: {  	s0 =	sadd.s32 $0x8F2B, s0  }
0xcb: {  	[sflag:s0] =	ssyncadd.remote.s32 $0x1  }
0xcc: {  	_ =	sfence.sel $0xFFFF  }
0xcd: {  	[dreg:$0x0] =	wrdreg $0xFFFFFFFF;
	(pc) =	sbr.abs _section_cstart, $3  }
0xce: {  	[dreg:$0x1] =	wrdreg $0xFFFFFFFF  }
0xcf: {  	_ =	task.clear_ibuf [dreg:s22], $0x2FFFF;
	_ =	strace $0x9FFFFFFF  }
0xd0: {  	(tm) =	ssettm $0x7FFFFFFF  }
0xd1: {  	_ =	shalt  }
tec
execute0_lowered:
.L_overlay_start_1:
0x0: {  	(tag) =	ssettag $0x1  }
0x1: {  	s4 =	rddreg [dreg:$0x0]  }
0x2: {  	s0 =	rddreg [dreg:$0x1]  }
0x3: {  	s3 =	srdreg.scid;
	s1 =	stileid.u32;
	s2 =	simm.s32 $0x0  }
0x4: {  	s11 =	simm.s32 $0x2000;
	s12 =	simm.s32 $0x4800;
	s13 =	simm.s32 $0x1  }
0x5: {  	s14 =	simm.s32 $0x2;
	s15 =	simm.s32 $0x1E80;
	s16 =	simm.s32 $0x0  }
0x6: {  	s6 =	sand.u32 $0x1, s3;
	s25 =	sshll.u32 s1, $0x1;
	[smem:$0x7FF] =	sst s2  }
0x7: {  	s3 =	sadd.s32 $0x26C00, s4;
	s9 =	sadd.s32 $0x2D5C00, s4;
	s29 =	smul.u32 $0x26C00, s1  }
0x8: {  	s5 =	sor.u32 s6, s25;
	_ =	strace $0x8000004A;
	s8 =	ssub.s32 $0x2, s6  }
0x9: {  	s31 =	smul.u32 $0x13600, s6;
	s7 =	sshll.u32 s5, $0xA;
	s26 =	sshrl.u32 s8, $0x1  }
0xa: {  	s10 =	smul.u32 $0x13600, s5;
	s7 =	sadd.s32 s7, s4;
	s28 =	ssub.s32 s8, s26  }
0xb: {  	s8 =	sadd.s32 s29, s9;
	s4 =	sadd.s32 $0x2CDC00, s7;
	s5 =	smax.u32 s28, $0x1  }
0xc: {  	s30 =	sadd.s32 s9, s10;
	s8 =	sadd.s32 s31, s8;
	s9 =	simm.s32 $0x3  }
0xd: {  	s10 =	simm.s32 $0x50;
	s6 =	sadd.s32 $0x12C00, s30;
	s7 =	sadd.s32 $0x13100, s30  }
.LBB2_1:
0xe: {  	[tilespmem:s2], [sflag:$0x3] =	stream.linear.gather [hbm4b:s4+s2], $0x1F00, $0x38;
	[tilespmem:$0x7000] =	vst v63  }
0xf: {  	_ =	swait.ge [sflag:s9], $0x1F00  }
0x10: {  	[sflag:s9] =	ssyncset.done $0x0  }
0x11: {  	[sflag:s9] =	ssyncadd.s32 $0xFFFFE100  }
0x12: {  	[tilespmem:s11], [sflag:$0x1] =	stream.indirect.gather [hbm4b:s3+s10], $0x80, s2, s10, $0xb8;
	[tilespmem:$0x7000] =	vst v63  }
0x13: {  	s17 =	simm.s32 $0x80  }
0x14: {  	[tilespmem:s12], [sflag:$0x2] =	stream.indirect.gather [hbm4b:s3+s10], $0x80, s17, s10, $0xb8;
	[tilespmem:$0x7000] =	vst v63  }
0x15: {  	_ =	swait.ge [sflag:s13], $0x2800  }
0x16: {  	[sflag:s13] =	ssyncset.done $0x0  }
0x17: {  	s31 =	sadd.s32 $0x0, s8;
	[sflag:s13] =	ssyncadd.s32 $0xFFFFD800  }
0x18: {  	[hbm4b:s31+s2] =	stream.linear.scatter [tilespmem:s11], [sflag:$0x3], $0x2800, $0x38;
	[tilespmem:$0x7000] =	vst v63  }
0x19: {  	_ =	swait.ge [sflag:s9], $0x2800  }
0x1a: {  	[sflag:s9] =	ssyncset.done $0x0  }
0x1b: {  	s18 =	simm.s32 $0x100;
	[sflag:s9] =	ssyncadd.s32 $0xFFFFD800  }
0x1c: {  	[tilespmem:s11], [sflag:$0x1] =	stream.indirect.gather [hbm4b:s3+s10], $0x80, s18, s10, $0xb8;
	[tilespmem:$0x7000] =	vst v63  }
0x1d: {  	_ =	swait.ge [sflag:s14], $0x2800  }
0x1e: {  	[sflag:s14] =	ssyncset.done $0x0  }
0x1f: {  	s17 =	sadd.s32 $0x500, s31;
	[sflag:s14] =	ssyncadd.s32 $0xFFFFD800  }
0x20: {  	[hbm4b:s17+s2] =	stream.linear.scatter [tilespmem:s12], [sflag:$0x3], $0x2800, $0x38;
	[tilespmem:$0x7000] =	vst v63  }
0x21: {  	s19 =	simm.s32 $0x1400;
	_ =	swait.ge [sflag:s9], $0x2800  }
0x22: {  	s18 =	simm.s32 $0xA00;
	s17 =	simm.s32 $0x200;
	[sflag:s9] =	ssyncset.done $0x0  }
.LBB2_2:
0x23: {  	p0 =	sne.s32 s19, $0x12200;
	s20 =	sadd.s32 $0xFFFFFF80, s17;
	[sflag:s9] =	ssyncadd.s32 $0xFFFFD800  }
0x24: {  	[tilespmem:s12], [sflag:$0x2] =	stream.indirect.gather [hbm4b:s3+s10], $0x80, s20, s10, $0xb8;
	[tilespmem:$0x7000] =	vst v63  }
0x25: {  	s20 =	smov.u32 s19;
	s19 =	sadd.s32 $0xA00, s19;
	_ =	swait.ge [sflag:s13], $0x2800  }
0x26: {  	[sflag:s13] =	ssyncset.done $0x0  }
0x27: {  	s21 =	sadd.s32 s18, s8;
	s18 =	smov.u32 s20;
	[sflag:s13] =	ssyncadd.s32 $0xFFFFD800  }
0x28: {  	[hbm4b:s21+s2] =	stream.linear.scatter [tilespmem:s11], [sflag:$0x3], $0x2800, $0x38;
	[tilespmem:$0x7000] =	vst v63  }
0x29: {  	_ =	swait.ge [sflag:s9], $0x2800  }
0x2a: {  	[sflag:s9] =	ssyncset.done $0x0  }
0x2b: {  	[sflag:s9] =	ssyncadd.s32 $0xFFFFD800  }
0x2c: {  	[tilespmem:s11], [sflag:$0x1] =	stream.indirect.gather [hbm4b:s3+s10], $0x80, s17, s10, $0xb8;
	[tilespmem:$0x7000] =	vst v63  }
0x2d: {  	_ =	swait.ge [sflag:s14], $0x2800  }
.Ltmp0:
0x2e: {  	[sflag:s14] =	ssyncset.done $0x0;
	(pc) =	sbr.rel @p0 .LBB2_2-.Ltmp0, $4  }
0x2f: {  	s20 =	sadd.s32 $0x500, s21;
	[sflag:s14] =	ssyncadd.s32 $0xFFFFD800  }
0x30: {  	[hbm4b:s20+s2] =	stream.linear.scatter [tilespmem:s12], [sflag:$0x3], $0x2800, $0x38;
	[tilespmem:$0x7000] =	vst v63  }
0x31: {  	_ =	swait.ge [sflag:s9], $0x2800  }
0x32: {  	s17 =	sadd.s32 $0x100, s17;
	[sflag:s9] =	ssyncset.done $0x0  }
0x33: {  	s19 =	sadd.s32 $0xFFFFFF80, s17;
	[sflag:s9] =	ssyncadd.s32 $0xFFFFD800  }
0x34: {  	[tilespmem:s12], [sflag:$0x2] =	stream.indirect.gather [hbm4b:s3+s10], $0x80, s19, s10, $0xb8;
	[tilespmem:$0x7000] =	vst v63  }
0x35: {  	_ =	swait.ge [sflag:s13], $0x2800  }
0x36: {  	[sflag:s13] =	ssyncset.done $0x0  }
0x37: {  	s18 =	sadd.s32 s18, s8;
	[sflag:s13] =	ssyncadd.s32 $0xFFFFD800  }
0x38: {  	[hbm4b:s18+s2] =	stream.linear.scatter [tilespmem:s11], [sflag:$0x3], $0x2800, $0x38;
	[tilespmem:$0x7000] =	vst v63  }
0x39: {  	_ =	swait.ge [sflag:s9], $0x2800  }
0x3a: {  	[sflag:s9] =	ssyncset.done $0x0  }
0x3b: {  	[sflag:s9] =	ssyncadd.s32 $0xFFFFD800  }
0x3c: {  	[tilespmem:s11], [sflag:$0x1] =	stream.indirect.gather [hbm4b:s3+s10], $0x80, s17, s10, $0xb8;
	[tilespmem:$0x7000] =	vst v63  }
0x3d: {  	_ =	swait.ge [sflag:s14], $0x2800  }
0x3e: {  	[sflag:s14] =	ssyncset.done $0x0  }
0x3f: {  	s31 =	sadd.s32 $0x500, s18;
	[sflag:s14] =	ssyncadd.s32 $0xFFFFD800  }
0x40: {  	[hbm4b:s31+s2] =	stream.linear.scatter [tilespmem:s12], [sflag:$0x3], $0x2800, $0x38;
	[tilespmem:$0x7000] =	vst v63  }
0x41: {  	_ =	swait.ge [sflag:s9], $0x2800  }
0x42: {  	[sflag:s9] =	ssyncset.done $0x0  }
0x43: {  	[sflag:s9] =	ssyncadd.s32 $0xFFFFD800  }
0x44: {  	[tilespmem:s12], [sflag:$0x2] =	stream.indirect.gather [hbm4b:s3+s10], $0x80, s15, s10, $0xb8;
	[tilespmem:$0x7000] =	vst v63  }
0x45: {  	_ =	swait.ge [sflag:s13], $0x2800  }
0x46: {  	[sflag:s13] =	ssyncset.done $0x0  }
0x47: {  	[sflag:s13] =	ssyncadd.s32 $0xFFFFD800  }
0x48: {  	[hbm4b:s6+s2] =	stream.linear.scatter [tilespmem:s11], [sflag:$0x3], $0x2800, $0x38;
	[tilespmem:$0x7000] =	vst v63  }
0x49: {  	_ =	swait.ge [sflag:s9], $0x2800  }
0x4a: {  	[sflag:s9] =	ssyncset.done $0x0  }
0x4b: {  	[sflag:s9] =	ssyncadd.s32 $0xFFFFD800  }
0x4c: {  	[tilespmem:s11], [sflag:$0x1] =	stream.indirect.gather [hbm4b:s3+s10], $0x80, s15, s10, $0xb8;
	[tilespmem:$0x7000] =	vst v63  }
0x4d: {  	_ =	swait.ge [sflag:s14], $0x2800  }
0x4e: {  	[sflag:s14] =	ssyncset.done $0x0  }
0x4f: {  	s16 =	sadd.s32 $0x1, s16;
	[sflag:s14] =	ssyncadd.s32 $0xFFFFD800  }
0x50: {  	[hbm4b:s7+s2] =	stream.linear.scatter [tilespmem:s12], [sflag:$0x3], $0x2800, $0x38;
	[tilespmem:$0x7000] =	vst v63  }
0x51: {  	p0 =	sne.s32 s16, s5;
	_ =	swait.ge [sflag:s9], $0x2800  }
.Ltmp1:
0x52: {  	[sflag:s9] =	ssyncset.done $0x0;
	(pc) =	sbr.rel @p0 .LBB2_1-.Ltmp1, $4  }
0x53: {  	[sflag:s9] =	ssyncadd.s32 $0xFFFFD800  }
0x54: {  	_ =	swait.ge [sflag:s13], $0x2800  }
0x55: {  	[sflag:s13] =	ssyncset.done $0x0  }
0x56: {  	[sflag:s13] =	ssyncadd.s32 $0xFFFFD800  }
0x57: {  	_ =	sfence.sel $0x180000  }
0x58: {  	[bflag:$0x0] =	sbarrier.arrive $0xFFFF  }
0x59: {  	p0 =	sne.s32 s1, $0x0;
	_ =	strace $0x9000004A  }
0x5a: {  	s0 =	sadd.s32 @!p0 $0x100000, s0;
	[bflag:$0x2] =	sbarrier.arrive $0xFFFF  }
0x5b: {  	[sflag:s0] =	ssyncadd.tile.s32 @!p0 $0x1;
	_ =	shalt  }
.Lfunc_end2:
_tile_overlayer_lowered:
.L_overlay_start_2:
0x5c: {  	(tag) =	ssettag $0x2  }
0x5d: {  	s0 =	rddreg [dreg:$0x0];
	s2 =	stileid.u32  }
0x5e: {  	s1 =	rddreg [dreg:$0x1];
	p0 =	sne.s32 s2, $0x0  }
0x5f: {  	s3 =	rddreg [dreg:$0x2];
	[bflag:$0x3] =	sbarrier.arrive $0xFFFF;
	s2 =	simm.s32 @!p0 $0x1C03  }
0x60: {  	[timem:s3], [sflag:s2] =	dma.local @!p0 [hbm:s0], s1  }
0x61: {  	s0 =	simm.s32 @!p0 $0x3  }
0x62: {  	_ =	swait.ge @!p0 [sflag:s0], s1  }
0x63: {  	s1 =	ssub.s32 @!p0 $0x0, s1;
	[sflag:s0] =	ssyncset.done @!p0 $0x0  }
0x64: {  	[sflag:s0] =	ssyncadd.s32 @!p0 s1  }
0x65: {  	[bflag:$0x3] =	sbarrier.arrive $0xFFFF  }
0x66: {  	_ =	shalt  }

// kernel: kernel.19.cloned.1.call-start
scs
__scs_entry_jumppad:
0x0: {  	(pc) =	sbr.rel $0x88, $3  }
0x1: {  	(tag) =	ssettag $0x0;
	lr =	simm.s32 $0x1  }
0x2: {  	[smem:$0x3F8C] =	sst lr;
	_ =	strace $0xD0000000  }
0x3: {  	_ = 	snop  }
0x4: {  	_ = 	snop  }
0x5: {  	_ = 	snop  }
0x6: {  	_ = 	snop  }
0x7: {  	_ = 	snop  }
__scs_overlays_trampoline_lowered:
0x8: {  	[smem:$0x3F9B] =	sst s0  }
0x9: {  	[smem:$0x3F9C] =	sst s1  }
0xa: {  	[smem:$0x3F9D] =	sst s2  }
0xb: {  	[smem:$0x3F9E] =	sst s3  }
0xc: {  	[smem:$0x3F9F] =	sst s4  }
0xd: {  	[smem:$0x3FA0] =	sst s5  }
0xe: {  	[smem:$0x3FA1] =	sst s6  }
0xf: {  	[smem:$0x3FA2] =	sst s7  }
0x10: {  	[smem:$0x3FA3] =	sst s8  }
0x11: {  	[smem:$0x3FA4] =	sst s9;
	s0 =	simm.s32 @!p0 $0x0  }
0x12: {  	s1 =	sld [smem:$0x3F8A];
	s0 =	simm.s32 @p0 $0x1  }
0x13: {  	[smem:$0x3FA5] =	sst s0;
	s0 =	simm.s32 @!p1 $0x0  }
0x14: {  	s2 =	sld [smem:$0x3F89];
	s0 =	simm.s32 @p1 $0x1  }
0x15: {  	[smem:$0x3FA6] =	sst s0;
	s0 =	simm.s32 @!p2 $0x0  }
0x16: {  	s3 =	sld [smem:$0x3FDB];
	s0 =	simm.s32 @p2 $0x1  }
0x17: {  	s4 =	simm.s32 $0x1BF5;
	[smem:$0x3FA8] =	sst s0  }
0x18: {  	s0 =	sld [smem:$0x3F8B];
	_ =	swait.ge [sflag:s4], $0x0  }
0x19: {  	s7 =	sld [smem:$0x3F8C]  }
0x1a: {  	s8 =	sadd.s32 $0xFFFFE003, lr  }
0x1b: {  	s9 =	sadd.s32 $0xFFFFFEF7, lr;
	s5 =	simm.s32 $0xFFFFFFFF;
	p2 =	slt.u32 s8, $0xFFFFF086  }
0x1c: {  	p1 =	slt.u32 s9, $0xF7A;
	s5 =	simm.s32 @!p2 $0x0  }
0x1d: {  	s5 =	simm.s32 @p1 $0x1;
	p0 =	seq.s32 s7, s2  }
0x1e: {  	s7 =	smul.u32 @!p0 $0xF7A, s2;
	p2 =	seq.s32 @!p0 s5, $0x0  }
0x1f: {  	s9 =	smul.u32 $0xF7A, s1;
	s8 =	simm.s32 @!p0 $0x1BF5;
	p2 =	por !p2, p0  }
0x20: {  	[sflag:s8] =	ssyncset.s32 @!p0 $0xFFFFF086;
	s6 =	sadd.s32 @!p0 s3, s7;
	s7 =	simm.s32 @!p0 $0x108  }
0x21: {  	s3 =	sadd.s32 s3, s9;
	s6 =	sadd.s32 @!p0 $0x88, s6;
	s7 =	simm.s32 @p2 $0x1082  }
0x22: {  	[simem:s7], [sflag:s8] =	dma.local @!p0 [hbm:s6], $0xF7A  }
0x23: {  	s9 =	sor.u32 $0xD0000000, s2;
	s6 =	simm.s32 $0x108;
	_ =	swait.ge @!p0 [sflag:s8], $0x0  }
0x24: {  	s3 =	sadd.s32 $0x88, s3;
	s6 =	simm.s32 @!p1 $0x1082;
	[sflag:s4] =	ssyncset.s32 $0xFFFFF086  }
0x25: {  	[simem:s6], [sflag:s4] =	dma.local [hbm:s3], $0xF7A  }
0x26: {  	[smem:$0x3F8C] =	sst s1;
	(tag) =	ssettag s2;
	_ =	strace s9  }
0x27: {  	s1 =	sld [smem:$0x3F9C]  }
0x28: {  	s2 =	sld [smem:$0x3F9D]  }
0x29: {  	s4 =	sld [smem:$0x3F9F]  }
0x2a: {  	p0 =	seq.s32 s5, $0x0;
	s5 =	sld [smem:$0x3FA0]  }
0x2b: {  	s6 =	sld [smem:$0x3FA1]  }
0x2c: {  	s7 =	sld [smem:$0x3FA2]  }
0x2d: {  	s3 =	simm.s32 $0x108;
	s8 =	sld [smem:$0x3FA3]  }
0x2e: {  	s3 =	simm.s32 @!p0 $0x1082;
	s9 =	sld [smem:$0x3FA4]  }
0x2f: {  	lr =	sadd.s32 s0, s3;
	s0 =	sld [smem:$0x3F9B]  }
0x30: {  	s3 =	sld [smem:$0x3F9E]  }
0x31: {  	[smem:$0x3FA7] =	sst s10  }
0x32: {  	s10 =	sld [smem:$0x3FA5];
	_ =	sdelay $0x3  }
0x33: {  	p0 =	seq.s32 s10, $0x1;
	s10 =	sld [smem:$0x3FA7];
	_ =	sdelay $0x3  }
0x34: {  	[smem:$0x3FA7] =	sst s10  }
0x35: {  	s10 =	sld [smem:$0x3FA6];
	_ =	sdelay $0x3  }
0x36: {  	p1 =	seq.s32 s10, $0x1;
	s10 =	sld [smem:$0x3FA7];
	_ =	sdelay $0x3  }
0x37: {  	[smem:$0x3FA7] =	sst s10  }
0x38: {  	s10 =	sld [smem:$0x3FA8]  }
0x39: {  	_ = 	snop;
	(pc) =	sbr.ind lr, $3  }
0x3a: {  	_ = 	snop  }
0x3b: {  	_ = 	snop  }
0x3c: {  	p2 =	seq.s32 s10, $0x1;
	s10 =	sld [smem:$0x3FA7]  }
0x3d: {  	_ =	shalt  }
0x3e: {  	_ =	shalt  }
0x3f: {  	_ =	shalt  }
0x40: {  	_ =	shalt  }
0x41: {  	_ =	shalt  }
0x42: {  	_ =	shalt  }
0x43: {  	_ =	shalt  }
0x44: {  	_ =	shalt  }
0x45: {  	_ =	shalt  }
0x46: {  	_ =	shalt  }
0x47: {  	_ =	shalt  }
0x48: {  	_ =	shalt  }
0x49: {  	_ =	shalt  }
0x4a: {  	_ =	shalt  }
0x4b: {  	_ =	shalt  }
0x4c: {  	_ =	shalt  }
0x4d: {  	_ =	shalt  }
0x4e: {  	_ =	shalt  }
0x4f: {  	_ =	shalt  }
0x50: {  	_ =	shalt  }
0x51: {  	_ =	shalt  }
0x52: {  	_ =	shalt  }
0x53: {  	_ =	shalt  }
0x54: {  	_ =	shalt  }
0x55: {  	_ =	shalt  }
0x56: {  	_ =	shalt  }
0x57: {  	_ =	shalt  }
0x58: {  	_ =	shalt  }
0x59: {  	_ =	shalt  }
0x5a: {  	_ =	shalt  }
0x5b: {  	_ =	shalt  }
0x5c: {  	_ =	shalt  }
0x5d: {  	_ =	shalt  }
0x5e: {  	_ =	shalt  }
0x5f: {  	_ =	shalt  }
0x60: {  	_ =	shalt  }
0x61: {  	_ =	shalt  }
0x62: {  	_ =	shalt  }
0x63: {  	_ =	shalt  }
0x64: {  	_ =	shalt  }
0x65: {  	_ =	shalt  }
0x66: {  	_ =	shalt  }
0x67: {  	_ =	shalt  }
0x68: {  	_ =	shalt  }
0x69: {  	_ =	shalt  }
0x6a: {  	_ =	shalt  }
0x6b: {  	_ =	shalt  }
0x6c: {  	_ =	shalt  }
0x6d: {  	_ =	shalt  }
0x6e: {  	_ =	shalt  }
0x6f: {  	_ =	shalt  }
0x70: {  	_ =	shalt  }
0x71: {  	_ =	shalt  }
0x72: {  	_ =	shalt  }
0x73: {  	_ =	shalt  }
0x74: {  	_ =	shalt  }
0x75: {  	_ =	shalt  }
0x76: {  	_ =	shalt  }
0x77: {  	_ =	shalt  }
0x78: {  	_ =	shalt  }
0x79: {  	_ =	shalt  }
0x7a: {  	_ =	shalt  }
0x7b: {  	_ =	shalt  }
0x7c: {  	_ =	shalt  }
0x7d: {  	_ =	shalt  }
0x7e: {  	_ =	shalt  }
0x7f: {  	_ =	shalt  }
0x80: {  	_ =	shalt  }
0x81: {  	_ =	shalt  }
0x82: {  	_ =	shalt  }
0x83: {  	_ =	shalt  }
0x84: {  	_ =	shalt  }
0x85: {  	_ =	shalt  }
0x86: {  	_ =	shalt  }
0x87: {  	_ =	shalt  }
.Lfunc_end0:
.L_simem_size_0:
called_computation.3_lowered:
.L_overlay_start_0:
0x88: {  	s2 =	sld [smem:$0x3FD9]  }
0x89: {  	s3 =	sld [smem:$0x3FFE];
	_ =	sdelay $0x1  }
0x8a: {  	s1 =	srdreg.scid  }
0x8b: {  	s0 =	sand.u32 $0x1, s1  }
0x8c: {  	s17 =	sshll.u32 s0, $0xA;
	s2 =	sadd.s32 s3, s2  }
0x8d: {  	s2 =	sadd.s32 s2, s17  }
0x8e: {  	[smem:$0x3FB3] =	sst s2  }
0x8f: {  	_ = 	snop  }
0x90: {  	(tm) =	ssettm $0x1  }
0x91: {  	s18 =	sld [smem:$0x3FFB];
	_ =	sdelay $0x3  }
0x92: {  	_ =	strace s18  }
0x93: {  	s2 =	sld [smem:$0x3FFC];
	_ =	sdelay $0x3  }
0x94: {  	_ =	strace s2  }
0x95: {  	s2 =	sld [smem:$0x3FFD];
	_ =	sdelay $0x3  }
0x96: {  	_ =	strace s2  }
0x97: {  	_ =	strace $0x8FFFFFFF  }
0x98: {  	s19 =	sld [smem:$0x3FDB];
	_ =	sdelay $0x1  }
0x99: {  	s20 =	simm.s32 $_scs_section_size  }
0x9a: {  	s4 =	simm.s32 $_size__tile_overlayer_lowered;
	s5 =	simm.s32 $_tile_overlayer_lowered  }
0x9b: {  	s6 =	simm.s32 $0x1BFF;
	s21 =	sshll.u32 s5, $0x1;
	s3 =	sadd.s32 s20, s19  }
0x9c: {  	s22 =	simm.s32 $0x0;
	s4 =	sshll.u32 s4, $0x1;
	s5 =	sadd.s32 s21, s3  }
0x9d: {  	[timem:s22], [sflag:s6] =	dma.local [hbm:s5], s4  }
0x9e: {  	_ =	swait.ge [sflag:s6], s4  }
0x9f: {  	s4 =	ssub.s32 $0x0, s4;
	[sflag:s6] =	ssyncset.done $0x0  }
0xa0: {  	[sflag:s6] =	ssyncadd.s32 s4;
	_ =	sdelay $0x1  }
0xa1: {  	s23 =	simm.s32 $0x1B8B  }
0xa2: {  	_ =	swait.ge [sflag:s23], $0x1  }
0xa3: {  	[sflag:s23] =	ssyncset.done $0x0  }
0xa4: {  	[sflag:s23] =	ssyncadd.s32 $0xFFFFFFFF  }
0xa5: {  	s4 =	sld [smem:$0x0]  }
0xa6: {  	s5 =	sand.u32 $0xFFFFFFFE, s1  }
0xa7: {  	p0 =	sne.s32 s1, s5  }
0xa8: {  	s5 =	sshll.u32 @p0 s5, $0xE  }
0xa9: {  	s5 =	sadd.s32 @p0 $0x11B8D, s5;
	s6 =	sshll.u32 @p0 s4, $0x11  }
0xaa: {  	s5 =	sor.u32 @p0 s6, s5  }
0xab: {  	[sflag:s5] =	ssyncadd.remote.s32 @p0 $0x1;
	_ =	sdelay $0x1  }
0xac: {  	s5 =	simm.s32 @p0 $0x1B8D  }
0xad: {  	_ =	swait.eq @p0 [sflag:s5], $0x1  }
0xae: {  	[sflag:s5] =	ssyncadd.s32 @p0 $0xFFFFFFFF  }
0xaf: {  	s6 =	sshll.u32 @!p0 s1, $0xE  }
0xb0: {  	s6 =	sor.u32 @!p0 $0x4000, s6;
	s5 =	simm.s32 @!p0 $0x1B8D  }
0xb1: {  	s4 =	sshll.u32 @!p0 s4, $0x11;
	s6 =	sadd.s32 @!p0 $0x11B8D, s6;
	_ =	swait.eq @!p0 [sflag:s5], $0x1  }
0xb2: {  	s4 =	sor.u32 @!p0 s4, s6;
	[sflag:s5] =	ssyncadd.s32 @!p0 $0xFFFFFFFF  }
0xb3: {  	s25 =	simm.s32 $0x1B8E;
	s24 =	sld [smem:$0x3FFE];
	[sflag:s4] =	ssyncadd.remote.s32 @!p0 $0x1  }
0xb4: {  	s26 =	simm.s32 $execute0_lowered;
	[smem:$0x3FD2] =	sst s25  }
0xb5: {  	s5 =	sshll.u32 s26, $0x1;
	_ =	strace $0x8000004F;
	[dreg:$0x1] =	wrdreg $0xFFFFFFFF  }
0xb6: {  	s28 =	simm.s32 $_size_execute0_lowered;
	s3 =	sadd.s32 s3, s5;
	[dreg:$0x0] =	wrdreg $0x0  }
0xb7: {  	s5 =	sshll.u32 s28, $0x1;
	[dreg:$0x2] =	wrdreg s3  }
0xb8: {  	[dreg:$0x3] =	wrdreg s5  }
0xb9: {  	[dreg:$0x4] =	wrdreg $0xC0  }
0xba: {  	_ =	task [dreg:s22], $0x5FFFF  }
0xbb: {  	[dreg:$0x1] =	wrdreg $0xFFFFFFFF  }
0xbc: {  	[dreg:$0x0] =	wrdreg $0x60  }
0xbd: {  	[dreg:$0x2] =	wrdreg s24  }
0xbe: {  	[dreg:$0x3] =	wrdreg $0x70000  }
0xbf: {  	[dreg:$0x4] =	wrdreg $0xA  }
0xc0: {  	_ =	task.clear_ibuf [dreg:s22], $0x5FFFF;
	_ =	strace $0x9000004F  }
0xc1: {  	s29 =	simm.s32 $0xA;
	_ =	strace $0x80000051  }
0xc2: {  	_ =	swait.ge [sflag:s29], $0x1  }
0xc3: {  	[sflag:s29] =	ssyncadd.s32 $0xFFFFFFFF  }
0xc4: {  	_ =	strace $0x90000051  }
0xc5: {  	_ =	sfence  }
0xc6: {  	s30 =	sld [smem:$0x0];
	_ =	sdelay $0x2  }
0xc7: {  	s31 =	sshll.u32 s1, $0xD;
	s1 =	sshrl.u32 s1, $0x2  }
0xc8: {  	s4 =	sand.u32 $0x4000, s31;
	s1 =	sadd.s32 s1, s30  }
0xc9: {  	s0 =	sor.u32 s4, s0;
	s1 =	sshll.u32 s1, $0x11  }
0xca: {  	s0 =	sor.u32 s1, s0  }
0xcb: {  	s0 =	sadd.s32 $0x8F2B, s0  }
0xcc: {  	[sflag:s0] =	ssyncadd.remote.s32 $0x1  }
0xcd: {  	_ =	sfence.sel $0xFFFF  }
0xce: {  	[dreg:$0x0] =	wrdreg $0xFFFFFFFF;
	(pc) =	sbr.abs _section_cstart, $3  }
0xcf: {  	[dreg:$0x1] =	wrdreg $0xFFFFFFFF  }
0xd0: {  	_ =	task.clear_ibuf [dreg:s22], $0x2FFFF;
	_ =	strace $0x9FFFFFFF  }
0xd1: {  	(tm) =	ssettm $0x7FFFFFFF  }
tec
execute0_lowered:
.L_overlay_start_1:
0x0: {  	(tag) =	ssettag $0x1  }
0x1: {  	s4 =	rddreg [dreg:$0x0]  }
0x2: {  	s1 =	rddreg [dreg:$0x1]  }
0x3: {  	s0 =	rddreg [dreg:$0x2]  }
0x4: {  	s3 =	srdreg.scid;
	s10 =	stileid.u32;
	s2 =	simm.s32 $0x0  }
0x5: {  	s14 =	simm.s32 $0x1;
	s15 =	simm.s32 $0x50;
	s16 =	simm.s32 $0x2  }
0x6: {  	s17 =	simm.s32 $0x1E00;
	s18 =	simm.s32 $0x1E80;
	s19 =	simm.s32 $0x0  }
0x7: {  	s5 =	sand.u32 $0x1, s3;
	s29 =	sshll.u32 s10, $0x1;
	[smem:$0x7FF] =	sst s2  }
0x8: {  	s7 =	sadd.s32 $0x7BFC00, s4;
	s12 =	smul.u32 $0x26C00, s10;
	p0 =	sne.s32 s10, $0x0  }
0x9: {  	s10 =	simm.s32 $0x3;
	s6 =	sor.u32 s5, s29;
	s9 =	smul.u32 $0x27100, s5  }
0xa: {  	_ =	strace $0x80000050;
	s11 =	ssub.s32 $0x2, s5;
	s13 =	smul.u32 $0x13600, s5  }
0xb: {  	s3 =	sshll.u32 s6, $0xA;
	s6 =	smul.u32 $0x13600, s6;
	s30 =	sshrl.u32 s11, $0x1  }
0xc: {  	s31 =	sadd.s32 s12, s7;
	s12 =	simm.s32 $0x2000;
	s8 =	sadd.s32 s3, s4  }
0xd: {  	s3 =	sadd.s32 $0x4DE00, s4;
	s9 =	sadd.s32 s9, s4;
	s11 =	ssub.s32 s11, s30  }
0xe: {  	s4 =	sadd.s32 $0x4600, s8;
	s5 =	sadd.s32 s7, s6;
	s6 =	sadd.s32 $0xC3200, s9  }
0xf: {  	s7 =	smax.u32 s11, $0x1;
	s9 =	sadd.s32 s13, s31;
	s11 =	sshrl.u32 @!p0 s1, $0x3  }
0x10: {  	s13 =	simm.s32 $0x4800;
	s8 =	sadd.s32 $0x13100, s5;
	s9 =	sadd.s32 $0xA00, s9  }
.LBB2_1:
0x11: {  	[tilespmem:s2], [sflag:$0x3] =	stream.linear.gather [hbm4b:s4+s2], $0x1F00, $0x38;
	[tilespmem:$0x1A880] =	vst v63  }
0x12: {  	_ =	swait.ge [sflag:s10], $0x1F00  }
0x13: {  	[sflag:s10] =	ssyncset.done $0x0  }
0x14: {  	s20 =	simm.s32 @!p0 $0x1C03;
	[sflag:s10] =	ssyncadd.s32 $0xFFFFE100  }
0x15: {  	[spmem:s11], [sflag:s20] =	dma.local @!p0 [hbm:s3], $0x27100  }
0x16: {  	s20 =	simm.s32 @!p0 $0x3  }
0x17: {  	_ =	swait.ge @!p0 [sflag:s20], $0x27100  }
0x18: {  	[sflag:s20] =	ssyncset.done @!p0 $0x0  }
0x19: {  	[sflag:s20] =	ssyncadd.s32 @!p0 $0xFFFD8F00  }
0x1a: {  	[bflag:$0x0] =	sbarrier.arrive $0xFFFF  }
0x1b: {  	[tilespmem:s12], [sflag:$0x1] =	stream.linear.gather [hbm4b:s5+s2], $0x2800, $0x38;
	[tilespmem:$0x1A880] =	vst v63  }
0x1c: {  	s29 =	sadd.s32 $0xFFFFFB00, s9  }
0x1d: {  	[tilespmem:s13], [sflag:$0x2] =	stream.linear.gather [hbm4b:s29+s2], $0x2800, $0x38;
	[tilespmem:$0x1A880] =	vst v63  }
0x1e: {  	_ =	swait.ge [sflag:s14], $0x2800  }
0x1f: {  	[sflag:s14] =	ssyncset.done $0x0  }
0x20: {  	s30 =	simm.s32 $0x0;
	[sflag:s14] =	ssyncadd.s32 $0xFFFFD800  }
0x21: {  	[spmem:s1] =	stream.indirect.scatter.add.f32 [tilespmem:s12], [sflag:$0x3], $0x80, s30, s15, $0xb8;
	[tilespmem:$0x1A880] =	vst v63  }
0x22: {  	_ =	swait.ge [sflag:s10], $0x2800  }
0x23: {  	[sflag:s10] =	ssyncset.done $0x0  }
0x24: {  	[sflag:s10] =	ssyncadd.s32 $0xFFFFD800  }
0x25: {  	[tilespmem:s12], [sflag:$0x1] =	stream.linear.gather [hbm4b:s9+s2], $0x2800, $0x38;
	[tilespmem:$0x1A880] =	vst v63  }
0x26: {  	_ =	swait.ge [sflag:s16], $0x2800  }
0x27: {  	[sflag:s16] =	ssyncset.done $0x0  }
0x28: {  	s31 =	simm.s32 $0x80;
	[sflag:s16] =	ssyncadd.s32 $0xFFFFD800  }
0x29: {  	[spmem:s1] =	stream.indirect.scatter.add.f32 [tilespmem:s13], [sflag:$0x3], $0x80, s31, s15, $0xb8;
	[tilespmem:$0x1A880] =	vst v63  }
0x2a: {  	s21 =	simm.s32 $0x400;
	_ =	swait.ge [sflag:s10], $0x2800  }
0x2b: {  	s22 =	simm.s32 $0x800;
	s20 =	sadd.s32 $0xA00, s9;
	[sflag:s10] =	ssyncset.done $0x0  }
.LBB2_2:
0x2c: {  	p1 =	sne.s32 s22, $0x7400;
	s23 =	sadd.s32 $0xFFFFFB00, s20;
	[sflag:s10] =	ssyncadd.s32 $0xFFFFD800  }
0x2d: {  	[tilespmem:s13], [sflag:$0x2] =	stream.linear.gather [hbm4b:s23+s2], $0x2800, $0x38;
	[tilespmem:$0x1A880] =	vst v63  }
0x2e: {  	s23 =	smov.u32 s22;
	s22 =	sadd.s32 $0x400, s22;
	_ =	swait.ge [sflag:s14], $0x2800  }
0x2f: {  	[sflag:s14] =	ssyncset.done $0x0  }
0x30: {  	s24 =	sshra.s32 s21, $0x2;
	s21 =	smov.u32 s23;
	[sflag:s14] =	ssyncadd.s32 $0xFFFFD800  }
0x31: {  	[spmem:s1] =	stream.indirect.scatter.add.f32 [tilespmem:s12], [sflag:$0x3], $0x80, s24, s15, $0xb8;
	[tilespmem:$0x1A880] =	vst v63  }
0x32: {  	_ =	swait.ge [sflag:s10], $0x2800  }
0x33: {  	[sflag:s10] =	ssyncset.done $0x0  }
0x34: {  	[sflag:s10] =	ssyncadd.s32 $0xFFFFD800  }
0x35: {  	[tilespmem:s12], [sflag:$0x1] =	stream.linear.gather [hbm4b:s20+s2], $0x2800, $0x38;
	[tilespmem:$0x1A880] =	vst v63  }
0x36: {  	_ =	swait.ge [sflag:s16], $0x2800  }
.Ltmp0:
0x37: {  	[sflag:s16] =	ssyncset.done $0x0;
	(pc) =	sbr.rel @p1 .LBB2_2-.Ltmp0, $4  }
0x38: {  	s23 =	sadd.s32 $0x80, s24;
	[sflag:s16] =	ssyncadd.s32 $0xFFFFD800  }
0x39: {  	[spmem:s1] =	stream.indirect.scatter.add.f32 [tilespmem:s13], [sflag:$0x3], $0x80, s23, s15, $0xb8;
	[tilespmem:$0x1A880] =	vst v63  }
0x3a: {  	_ =	swait.ge [sflag:s10], $0x2800  }
0x3b: {  	s20 =	sadd.s32 $0xA00, s20;
	[sflag:s10] =	ssyncset.done $0x0  }
0x3c: {  	s22 =	sadd.s32 $0xFFFFFB00, s20;
	[sflag:s10] =	ssyncadd.s32 $0xFFFFD800  }
0x3d: {  	[tilespmem:s13], [sflag:$0x2] =	stream.linear.gather [hbm4b:s22+s2], $0x2800, $0x38;
	[tilespmem:$0x1A880] =	vst v63  }
0x3e: {  	_ =	swait.ge [sflag:s14], $0x2800  }
0x3f: {  	[sflag:s14] =	ssyncset.done $0x0  }
0x40: {  	s21 =	sshra.s32 s21, $0x2;
	[sflag:s14] =	ssyncadd.s32 $0xFFFFD800  }
0x41: {  	[spmem:s1] =	stream.indirect.scatter.add.f32 [tilespmem:s12], [sflag:$0x3], $0x80, s21, s15, $0xb8;
	[tilespmem:$0x1A880] =	vst v63  }
0x42: {  	_ =	swait.ge [sflag:s10], $0x2800  }
0x43: {  	[sflag:s10] =	ssyncset.done $0x0  }
0x44: {  	[sflag:s10] =	ssyncadd.s32 $0xFFFFD800  }
0x45: {  	[tilespmem:s12], [sflag:$0x1] =	stream.linear.gather [hbm4b:s20+s2], $0x2800, $0x38;
	[tilespmem:$0x1A880] =	vst v63  }
0x46: {  	_ =	swait.ge [sflag:s16], $0x2800  }
0x47: {  	[sflag:s16] =	ssyncset.done $0x0  }
0x48: {  	s31 =	sadd.s32 $0x80, s21;
	[sflag:s16] =	ssyncadd.s32 $0xFFFFD800  }
0x49: {  	[spmem:s1] =	stream.indirect.scatter.add.f32 [tilespmem:s13], [sflag:$0x3], $0x80, s31, s15, $0xb8;
	[tilespmem:$0x1A880] =	vst v63  }
0x4a: {  	_ =	swait.ge [sflag:s10], $0x2800  }
0x4b: {  	[sflag:s10] =	ssyncset.done $0x0  }
0x4c: {  	[sflag:s10] =	ssyncadd.s32 $0xFFFFD800  }
0x4d: {  	[tilespmem:s13], [sflag:$0x2] =	stream.linear.gather [hbm4b:s8+s2], $0x2800, $0x38;
	[tilespmem:$0x1A880] =	vst v63  }
0x4e: {  	_ =	swait.ge [sflag:s14], $0x2800  }
0x4f: {  	[sflag:s14] =	ssyncset.done $0x0  }
0x50: {  	[sflag:s14] =	ssyncadd.s32 $0xFFFFD800  }
0x51: {  	[spmem:s1] =	stream.indirect.scatter.add.f32 [tilespmem:s12], [sflag:$0x3], $0x80, s17, s15, $0xb8;
	[tilespmem:$0x1A880] =	vst v63  }
0x52: {  	_ =	swait.ge [sflag:s10], $0x2800  }
0x53: {  	[sflag:s10] =	ssyncset.done $0x0  }
0x54: {  	[sflag:s10] =	ssyncadd.s32 $0xFFFFD800  }
0x55: {  	[tilespmem:s12], [sflag:$0x1] =	stream.linear.gather [hbm4b:s8+s2], $0x2800, $0x38;
	[tilespmem:$0x1A880] =	vst v63  }
0x56: {  	_ =	swait.ge [sflag:s16], $0x2800  }
0x57: {  	[sflag:s16] =	ssyncset.done $0x0  }
0x58: {  	[sflag:s16] =	ssyncadd.s32 $0xFFFFD800  }
0x59: {  	[spmem:s1] =	stream.indirect.scatter.add.f32 [tilespmem:s13], [sflag:$0x3], $0x80, s18, s15, $0xb8;
	[tilespmem:$0x1A880] =	vst v63  }
0x5a: {  	_ =	swait.ge [sflag:s10], $0x2800  }
0x5b: {  	[sflag:s10] =	ssyncset.done $0x0  }
0x5c: {  	[sflag:s10] =	ssyncadd.s32 $0xFFFFD800  }
0x5d: {  	_ =	swait.ge [sflag:s14], $0x2800  }
0x5e: {  	[sflag:s14] =	ssyncset.done $0x0  }
0x5f: {  	s19 =	sadd.s32 $0x1, s19;
	[sflag:s14] =	ssyncadd.s32 $0xFFFFD800  }
0x60: {  	p1 =	sne.s32 s19, s7;
	s20 =	simm.s32 @!p0 $0x1C03;
	[bflag:$0x0] =	sbarrier.arrive $0xFFFF  }
0x61: {  	[hbm:s6], [sflag:s20] =	dma.local @!p0 [spmem:s11], $0x27100  }
.Ltmp1:
0x62: {  	_ = 	snop;
	(pc) =	sbr.rel @p1 .LBB2_1-.Ltmp1, $4  }
0x63: {  	s20 =	simm.s32 @!p0 $0x3  }
0x64: {  	_ =	swait.ge @!p0 [sflag:s20], $0x27100  }
0x65: {  	[sflag:s20] =	ssyncset.done @!p0 $0x0  }
0x66: {  	[sflag:s20] =	ssyncadd.s32 @!p0 $0xFFFD8F00  }
0x67: {  	_ =	sfence.sel $0x180000  }
0x68: {  	[bflag:$0x0] =	sbarrier.arrive $0xFFFF  }
0x69: {  	_ =	strace $0x90000050  }
0x6a: {  	s0 =	sadd.s32 @!p0 $0x100000, s0;
	[bflag:$0x2] =	sbarrier.arrive $0xFFFF  }
0x6b: {  	[sflag:s0] =	ssyncadd.tile.s32 @!p0 $0x1;
	_ =	shalt  }
.Lfunc_end2:
_tile_overlayer_lowered:
.L_overlay_start_2:
0x6c: {  	(tag) =	ssettag $0x2  }
0x6d: {  	s0 =	rddreg [dreg:$0x0];
	s2 =	stileid.u32  }
0x6e: {  	s1 =	rddreg [dreg:$0x1];
	p0 =	sne.s32 s2, $0x0  }
0x6f: {  	s3 =	rddreg [dreg:$0x2];
	[bflag:$0x3] =	sbarrier.arrive $0xFFFF;
	s2 =	simm.s32 @!p0 $0x1C03  }
0x70: {  	[timem:s3], [sflag:s2] =	dma.local @!p0 [hbm:s0], s1  }
0x71: {  	s0 =	simm.s32 @!p0 $0x3  }
0x72: {  	_ =	swait.ge @!p0 [sflag:s0], s1  }
0x73: {  	s1 =	ssub.s32 @!p0 $0x0, s1;
	[sflag:s0] =	ssyncset.done @!p0 $0x0  }
0x74: {  	[sflag:s0] =	ssyncadd.s32 @!p0 s1  }
0x75: {  	[bflag:$0x3] =	sbarrier.arrive $0xFFFF  }
0x76: {  	_ =	shalt  }

</sc_bundles>
